<compile_context>
chip_gen: v7x
topology: tpu7x:2x2x1
jax: 0.10.2.dev20260603
libtpu: 0.0.44.dev20260713+nightly
codegen_flags: <defaults>
</compile_context>

<pallas_src>
import functools

import jax
import jax.numpy as jnp
from jax import lax
from jax.experimental import pallas as pl
from jax.experimental.pallas import tpu as pltpu
from jax.experimental.pallas import tpu_sc as plsc

B = 1024
D = 128
F = 20
S = F + 1
NW = 32
RPW = B * S // NW
CHUNK = 96
NCHUNK = RPW // CHUNK
BLK = 128
NBLK = B // BLK


def _sc_gather(user_emb_w, item_emb_w, idx_u, idx_i):
    mesh = plsc.VectorSubcoreMesh(core_axis_name="c", subcore_axis_name="s")
    nc = 2

    @functools.partial(
        pl.kernel,
        mesh=mesh,
        out_type=[
            jax.ShapeDtypeStruct((B * S, D), jnp.float32),
            jax.ShapeDtypeStruct((B * S, D), jnp.float32),
        ],
        scratch_types=[
            pltpu.VMEM((NCHUNK, CHUNK), jnp.int32),
            pltpu.VMEM((NCHUNK, CHUNK), jnp.int32),
            pltpu.VMEM((RPW, D), jnp.float32),
            pltpu.SemaphoreType.DMA,
            pltpu.SemaphoreType.DMA,
        ],
    )
    def k(u_tab, i_tab, iu, ii, out_u, out_i, iu_v, ii_v, rows_v, gsem,
          wsem):
        wid = lax.axis_index("s") * nc + lax.axis_index("c")
        base = wid * RPW

        pltpu.sync_copy(iu.at[wid], iu_v)
        pltpu.sync_copy(ii.at[wid], ii_v)

        def one_side(tab, idx_v, out_hbm, prev_wbs):
            copies = []
            for c in range(NCHUNK):
                if prev_wbs is not None:
                    prev_wbs[c].wait()
                copies.append(pltpu.async_copy(
                    tab.at[idx_v.at[c]],
                    rows_v.at[pl.ds(c * CHUNK, CHUNK)],
                    gsem))
            wbs = []
            for c in range(NCHUNK):
                copies[c].wait()
                wbs.append(pltpu.async_copy(
                    rows_v.at[pl.ds(c * CHUNK, CHUNK)],
                    out_hbm.at[pl.ds(base + c * CHUNK, CHUNK)], wsem))
            return wbs

        wbs = one_side(u_tab, iu_v, out_u, None)
        wbs = one_side(i_tab, ii_v, out_i, wbs)
        for w in wbs:
            w.wait()

    return k(user_emb_w, item_emb_w,
             idx_u.reshape(NW, NCHUNK, CHUNK),
             idx_i.reshape(NW, NCHUNK, CHUNK))


def _idx_body(u_ref, uf_ref, i_ref, if_ref, ou_ref, oi_ref):
    cu = jnp.concatenate([u_ref[...], uf_ref[...]], axis=1)
    ou_ref[...] = cu.T
    ci = jnp.concatenate([i_ref[...], if_ref[...]], axis=1)
    oi_ref[...] = ci.T


def _idx_prep(u, uf, i, if_):
    return pl.pallas_call(
        _idx_body,
        out_shape=[jax.ShapeDtypeStruct((S, B), jnp.int32),
                   jax.ShapeDtypeStruct((S, B), jnp.int32)],
    )(u.reshape(B, 1), uf, i.reshape(B, 1), if_)


def _tc_body(rows_u_ref, rows_i_ref, lens_ref, vecs_ref, wtu_ref, wti_ref,
             bias_ref, out_ref):
    b2 = bias_ref[...]
    ones_row = jnp.ones((1, D), jnp.float32)
    fio = lax.broadcasted_iota(jnp.int32, (S, BLK, D), 0).astype(jnp.float32)

    def rep(col):
        return jnp.dot(col, ones_row, preferred_element_type=jnp.float32)

    def gat(r3_raw, lencol, v2col, v1col, wt, bg):
        valid = fio <= rep(lencol)[None, :, :]
        r3 = jnp.where(valid, r3_raw, 0.0)
        r2 = r3.reshape(S * BLK, D)
        t = jnp.dot(r2, v2col, preferred_element_type=jnp.float32)
        P3 = rep(t).reshape(S, BLK, D)
        a = jnp.dot(r3_raw[0], v1col, preferred_element_type=jnp.float32)
        aself = rep(a) + bg
        s3 = P3 + aself[None, :, :]
        s3 = jnp.maximum(s3, 0.01 * s3)
        m = jnp.max(s3, axis=0)
        e3 = jnp.exp(s3 - m[None, :, :])
        z = jnp.sum(e3, axis=0)
        acc = jnp.sum(e3 * r3, axis=0)
        wemb = acc / z
        return lax.dot_general(wemb, wt, (((1,), (1,)), ((), ())),
                               preferred_element_type=jnp.float32)

    lens = lens_ref[...].astype(jnp.float32)
    vecs = vecs_ref[...]
    out_ref[:, :D] = gat(rows_u_ref[...], lens[:, 0:1], vecs[0], vecs[1],
                         wtu_ref[...], b2[0, 0])
    out_ref[:, D:] = gat(rows_i_ref[...], lens[:, 1:2], vecs[2], vecs[3],
                         wti_ref[...], b2[0, 1])


def _tc_compute(rows_u, rows_i, lens, vecs, wtu, wti, bias2):
    return pl.pallas_call(
        _tc_body,
        grid=(NBLK,),
        in_specs=[
            pl.BlockSpec((S, BLK, D), lambda j: (0, j, 0)),
            pl.BlockSpec((S, BLK, D), lambda j: (0, j, 0)),
            pl.BlockSpec((BLK, 2), lambda j: (j, 0)),
            pl.BlockSpec((4, D, 1), lambda j: (0, 0, 0)),
            pl.BlockSpec((D, D), lambda j: (0, 0)),
            pl.BlockSpec((D, D), lambda j: (0, 0)),
            pl.BlockSpec((1, 2), lambda j: (0, 0)),
        ],
        out_specs=pl.BlockSpec((BLK, 2 * D), lambda j: (j, 0)),
        out_shape=jax.ShapeDtypeStruct((B, 2 * D), jnp.float32),
    )(rows_u, rows_i, lens, vecs, wtu, wti, bias2)


def kernel(u, i, l, u_read, u_friend, uf_read, u_read_l, u_friend_l,
           uf_read_l, i_read, i_friend, if_read, i_link, i_read_l,
           i_friend_l, if_read_l, flag, user_emb_w, item_emb_w, item_b,
           W_trans_uid, W_trans_iid, W_gat_uid, b_gat_uid, W_gat_iid,
           b_gat_iid):
    idx_u, idx_i = _idx_prep(u.astype(jnp.int32),
                             u_friend.astype(jnp.int32),
                             i.astype(jnp.int32),
                             i_friend.astype(jnp.int32))

    rows_u, rows_i = _sc_gather(user_emb_w, item_emb_w, idx_u, idx_i)
    rows_u = rows_u.reshape(S, B, D)
    rows_i = rows_i.reshape(S, B, D)

    lens = jnp.stack([u_friend_l, i_friend_l], axis=1).astype(jnp.int32)
    v1u = W_trans_uid.T @ W_gat_uid[0, :D]
    v2u = W_trans_uid.T @ W_gat_uid[0, D:]
    v1i = W_trans_iid.T @ W_gat_iid[0, :D]
    v2i = W_trans_iid.T @ W_gat_iid[0, D:]
    vecs = jnp.stack([v2u, v1u, v2i, v1i]).reshape(4, D, 1)
    bias2 = jnp.stack([b_gat_uid[0], b_gat_iid[0]]).reshape(1, 2)

    return _tc_compute(rows_u, rows_i, lens, vecs, W_trans_uid, W_trans_iid,
                       bias2)

# --- scband reference (transcript-rebuilt; emitter-appended) ---
"""Pipeline reference for scband-danser-74431783239683 (READ-ONLY COPY).

The authoritative reference and input builder live on the scoring server;
editing this copy changes nothing except your own understanding.
"""

import jax, jax.numpy as jnp
import numpy as np

USER_COUNT = 100000
ITEM_COUNT = 100000
D = 128
B = 1024
F = 20
T = 20


def setup_inputs(seed: int = 0) -> dict:
    key = jax.random.key(seed)
    ks = jax.random.split(key, 24)
    inp = {}
    inp['u'] = jax.random.randint(ks[0], (B,), 0, USER_COUNT)
    inp['i'] = jax.random.randint(ks[1], (B,), 0, ITEM_COUNT)
    inp['l'] = jax.random.uniform(ks[2], (B,), dtype=jnp.float32)
    inp['u_read'] = jax.random.randint(ks[3], (B, T), 0, ITEM_COUNT)
    inp['u_friend'] = jax.random.randint(ks[4], (B, F), 0, USER_COUNT)
    inp['uf_read'] = jax.random.randint(ks[5], (B, F, T), 0, ITEM_COUNT)
    inp['u_read_l'] = jax.random.randint(ks[6], (B,), 0, T)
    inp['u_friend_l'] = jax.random.randint(ks[7], (B,), 0, F)
    inp['uf_read_l'] = jax.random.randint(ks[8], (B, F), 0, T)
    inp['i_read'] = jax.random.randint(ks[9], (B, T), 0, USER_COUNT)
    inp['i_friend'] = jax.random.randint(ks[10], (B, F), 0, ITEM_COUNT)
    inp['if_read'] = jax.random.randint(ks[11], (B, F, T), 0, USER_COUNT)
    inp['i_link'] = jax.random.randint(ks[12], (B, F), 0, 5)
    inp['i_read_l'] = jax.random.randint(ks[13], (B,), 0, T)
    inp['i_friend_l'] = jax.random.randint(ks[14], (B,), 0, F)
    inp['if_read_l'] = jax.random.randint(ks[15], (B, F), 0, T)
    inp['flag'] = 0
    ue = jax.random.normal(ks[16], (USER_COUNT + 1, D), dtype=jnp.float32) * 0.02
    inp['user_emb_w'] = ue.at[0].set(0.0)
    ie = jax.random.normal(ks[17], (ITEM_COUNT + 1, D), dtype=jnp.float32) * 0.02
    inp['item_emb_w'] = ie.at[0].set(0.0)
    inp['item_b'] = jnp.zeros((ITEM_COUNT + 1,), dtype=jnp.float32)
    inp['W_trans_uid'] = jax.random.normal(ks[18], (D, D), dtype=jnp.float32) * 0.05
    inp['W_trans_iid'] = jax.random.normal(ks[19], (D, D), dtype=jnp.float32) * 0.05
    inp['W_gat_uid'] = jax.random.normal(ks[20], (1, 2 * D), dtype=jnp.float32) * 0.05
    inp['b_gat_uid'] = jnp.zeros((1,), dtype=jnp.float32)
    inp['W_gat_iid'] = jax.random.normal(ks[21], (1, 2 * D), dtype=jnp.float32) * 0.05
    inp['b_gat_iid'] = jnp.zeros((1,), dtype=jnp.float32)
    return inp


def _len_mask2(lengths, t):
    return jnp.arange(t)[None, :] < lengths[:, None]


def reference(u, i, l, u_read, u_friend, uf_read, u_read_l, u_friend_l, uf_read_l,
              i_read, i_friend, if_read, i_link, i_read_l, i_friend_l, if_read_l, flag,
              user_emb_w, item_emb_w, item_b, W_trans_uid, W_trans_iid,
              W_gat_uid, b_gat_uid, W_gat_iid, b_gat_iid):
    uid_emb = user_emb_w[u]
    iid_emb = item_emb_w[i]
    i_b = item_b[i]
    # masked neighbor embeddings (padding beyond lengths zeroed, as in torch where())
    ur_emb = item_emb_w[u_read]
    ur_emb = jnp.where(_len_mask2(u_read_l, ur_emb.shape[1])[:, :, None], ur_emb, 0.0)
    ir_emb = user_emb_w[i_read]
    ir_emb = jnp.where(_len_mask2(i_read_l, ir_emb.shape[1])[:, :, None], ir_emb, 0.0)
    fuid_emb = user_emb_w[u_friend]
    fuid_emb = jnp.where(_len_mask2(u_friend_l, fuid_emb.shape[1])[:, :, None], fuid_emb, 0.0)
    fiid_emb = item_emb_w[i_friend]
    fiid_emb = jnp.where(_len_mask2(i_friend_l, fiid_emb.shape[1])[:, :, None], fiid_emb, 0.0)
    ufr_emb = item_emb_w[uf_read]
    m = (jnp.arange(ufr_emb.shape[2])[None, None, :] < uf_read_l[:, :, None])[..., None]
    ufr_emb = jnp.where(m, ufr_emb, 0.0)
    ifr_emb = user_emb_w[if_read]
    m = (jnp.arange(ifr_emb.shape[2])[None, None, :] < if_read_l[:, :, None])[..., None]
    ifr_emb = jnp.where(m, ifr_emb, 0.0)
    # user-id GAT over friends (self + friends)
    Fp1 = fuid_emb.shape[1] + 1
    uid_emb_exp1 = jnp.broadcast_to(uid_emb[:, None, :], (uid_emb.shape[0], Fp1, uid_emb.shape[1]))
    uid_in = uid_emb_exp1 @ W_trans_uid.T
    fuid_in = jnp.concatenate([uid_emb[:, None, :], fuid_emb], axis=1) @ W_trans_uid.T
    din_gat_uid = jnp.concatenate([uid_in, fuid_in], axis=-1)
    d1_gat_uid = jax.nn.leaky_relu(din_gat_uid @ W_gat_uid.T + b_gat_uid, 0.01)
    weights_uid = jax.nn.softmax(d1_gat_uid, axis=1)
    uid_gat = jnp.sum(weights_uid * fuid_in, axis=1)
    # item-id GAT over related items (self + friends)
    iid_emb_exp1 = jnp.broadcast_to(iid_emb[:, None, :], (iid_emb.shape[0], Fp1, iid_emb.shape[1]))
    iid_in = iid_emb_exp1 @ W_trans_iid.T
    fiid_in = jnp.concatenate([iid_emb[:, None, :], fiid_emb], axis=1) @ W_trans_iid.T
    din_gat_iid = jnp.concatenate([iid_in, fiid_in], axis=-1)
    d1_gat_iid = jax.nn.leaky_relu(din_gat_iid @ W_gat_iid.T + b_gat_iid, 0.01)
    weights_iid = jax.nn.softmax(d1_gat_iid, axis=1)
    iid_gat = jnp.sum(weights_iid * fiid_in, axis=1)
    return jnp.concatenate([uid_gat, iid_gat], axis=-1)

if __name__ == "__main__":
    import jax
    _d = setup_inputs()
    print(jax.jit(kernel)(*tuple(_d.values())))

</pallas_src>

<mosaic_0001>
#map = affine_map<(d0, d1) -> (0, 0)>
#map1 = affine_map<(d0, d1) -> (0, 0, 0)>
module attributes {stable_mosaic.version = 14 : i64} {
  func.func @k(%arg0: i32, %arg1: i32, %arg2: memref<100001x128xf32, #tpu.memory_space<hbm>>, %arg3: memref<100001x128xf32, #tpu.memory_space<hbm>>, %arg4: memref<32x7x96xi32, #tpu.memory_space<hbm>>, %arg5: memref<32x7x96xi32, #tpu.memory_space<hbm>>, %arg6: memref<21504x128xf32, #tpu.memory_space<hbm>>, %arg7: memref<21504x128xf32, #tpu.memory_space<hbm>>, %arg8: memref<7x96xi32, #tpu.memory_space<vmem>>, %arg9: memref<7x96xi32, #tpu.memory_space<vmem>>, %arg10: memref<672x128xf32, #tpu.memory_space<vmem>>, %arg11: memref<!tpu.dma_semaphore, #tpu.memory_space<semaphore_mem>>, %arg12: memref<!tpu.dma_semaphore, #tpu.memory_space<semaphore_mem>>) attributes {dimension_semantics = [#tpu.dimension_semantics<core_parallel>, #tpu.dimension_semantics<subcore_parallel>], iteration_bounds = array<i64: 2, 16>, scalar_prefetch = 0 : i64, scratch_operands = 5 : i64, tpu.core_type = #tpu.core_type<sc_vector_subcore>, window_params = [{transform_indices = #map}, {transform_indices = #map}, {transform_indices = #map1}, {transform_indices = #map1}, {transform_indices = #map}, {transform_indices = #map}]} {
    %mul3A = arith.constant 2 : i32
    %mul3A_0 = arith.muli %arg1, %mul3A : i32
    %add3A = arith.addi %mul3A_0, %arg0 : i32
    %mul3A_1 = arith.constant 672 : i32
    %mul3A_2 = arith.muli %add3A, %mul3A_1 : i32
    "tpu.region"() ({
      %run_scoped3A = tpu.sem_alloc : memref<!tpu.dma_semaphore, #tpu.memory_space<semaphore_mem>>
      %dma_start3A_589 = arith.constant 0 : i32
      %dma_start3A_590 = arith.constant 0 : i32
      %dma_start3A_591 = tpu.memref_slice %arg4[%add3A, %dma_start3A_589, %dma_start3A_590] : memref<32x7x96xi32, #tpu.memory_space<hbm>> -> memref<1x7x96xi32, #tpu.memory_space<hbm>>
      %dma_start3A_592 = tpu.memref_squeeze %dma_start3A_591 : memref<1x7x96xi32, #tpu.memory_space<hbm>> -> memref<7x96xi32, #tpu.memory_space<hbm>>
      %dma_start3A_593 = arith.constant 0 : i32
      %dma_start3A_594 = arith.constant 0 : i32
      %dma_start3A_595 = tpu.memref_slice %arg4[%add3A, %dma_start3A_593, %dma_start3A_594] : memref<32x7x96xi32, #tpu.memory_space<hbm>> -> memref<1x7x96xi32, #tpu.memory_space<hbm>>
      %dma_start3A_596 = tpu.memref_squeeze %dma_start3A_595 : memref<1x7x96xi32, #tpu.memory_space<hbm>> -> memref<7x96xi32, #tpu.memory_space<hbm>>
      tpu.enqueue_dma source(%dma_start3A_596 : memref<7x96xi32, #tpu.memory_space<hbm>>) target(%arg8 : memref<7x96xi32, #tpu.memory_space<vmem>>) target_semaphore(%run_scoped3A : memref<!tpu.dma_semaphore, #tpu.memory_space<semaphore_mem>>)
      %dma_wait3A_597 = arith.constant 0 : i32
      %dma_wait3A_598 = arith.constant 0 : i32
      %dma_wait3A_599 = tpu.memref_slice %arg4[%add3A, %dma_wait3A_597, %dma_wait3A_598] : memref<32x7x96xi32, #tpu.memory_space<hbm>> -> memref<1x7x96xi32, #tpu.memory_space<hbm>>
      %dma_wait3A_600 = tpu.memref_squeeze %dma_wait3A_599 : memref<1x7x96xi32, #tpu.memory_space<hbm>> -> memref<7x96xi32, #tpu.memory_space<hbm>>
      %dma_wait3A_601 = arith.constant 0 : i32
      %dma_wait3A_602 = arith.constant 0 : i32
      %dma_wait3A_603 = tpu.memref_slice %arg4[%add3A, %dma_wait3A_601, %dma_wait3A_602] : memref<32x7x96xi32, #tpu.memory_space<hbm>> -> memref<1x7x96xi32, #tpu.memory_space<hbm>>
      %dma_wait3A_604 = tpu.memref_squeeze %dma_wait3A_603 : memref<1x7x96xi32, #tpu.memory_space<hbm>> -> memref<7x96xi32, #tpu.memory_space<hbm>>
      tpu.wait_dma2 semaphore(%run_scoped3A : memref<!tpu.dma_semaphore, #tpu.memory_space<semaphore_mem>>) src(%dma_wait3A_604 : memref<7x96xi32, #tpu.memory_space<hbm>>) dst(%arg8 : memref<7x96xi32, #tpu.memory_space<vmem>>)
      tpu.yield
    }) : () -> ()
    "tpu.region"() ({
      %run_scoped3A = tpu.sem_alloc : memref<!tpu.dma_semaphore, #tpu.memory_space<semaphore_mem>>
      %dma_start3A_589 = arith.constant 0 : i32
      %dma_start3A_590 = arith.constant 0 : i32
      %dma_start3A_591 = tpu.memref_slice %arg5[%add3A, %dma_start3A_589, %dma_start3A_590] : memref<32x7x96xi32, #tpu.memory_space<hbm>> -> memref<1x7x96xi32, #tpu.memory_space<hbm>>
      %dma_start3A_592 = tpu.memref_squeeze %dma_start3A_591 : memref<1x7x96xi32, #tpu.memory_space<hbm>> -> memref<7x96xi32, #tpu.memory_space<hbm>>
      %dma_start3A_593 = arith.constant 0 : i32
      %dma_start3A_594 = arith.constant 0 : i32
      %dma_start3A_595 = tpu.memref_slice %arg5[%add3A, %dma_start3A_593, %dma_start3A_594] : memref<32x7x96xi32, #tpu.memory_space<hbm>> -> memref<1x7x96xi32, #tpu.memory_space<hbm>>
      %dma_start3A_596 = tpu.memref_squeeze %dma_start3A_595 : memref<1x7x96xi32, #tpu.memory_space<hbm>> -> memref<7x96xi32, #tpu.memory_space<hbm>>
      tpu.enqueue_dma source(%dma_start3A_596 : memref<7x96xi32, #tpu.memory_space<hbm>>) target(%arg9 : memref<7x96xi32, #tpu.memory_space<vmem>>) target_semaphore(%run_scoped3A : memref<!tpu.dma_semaphore, #tpu.memory_space<semaphore_mem>>)
      %dma_wait3A_597 = arith.constant 0 : i32
      %dma_wait3A_598 = arith.constant 0 : i32
      %dma_wait3A_599 = tpu.memref_slice %arg5[%add3A, %dma_wait3A_597, %dma_wait3A_598] : memref<32x7x96xi32, #tpu.memory_space<hbm>> -> memref<1x7x96xi32, #tpu.memory_space<hbm>>
      %dma_wait3A_600 = tpu.memref_squeeze %dma_wait3A_599 : memref<1x7x96xi32, #tpu.memory_space<hbm>> -> memref<7x96xi32, #tpu.memory_space<hbm>>
      %dma_wait3A_601 = arith.constant 0 : i32
      %dma_wait3A_602 = arith.constant 0 : i32
      %dma_wait3A_603 = tpu.memref_slice %arg5[%add3A, %dma_wait3A_601, %dma_wait3A_602] : memref<32x7x96xi32, #tpu.memory_space<hbm>> -> memref<1x7x96xi32, #tpu.memory_space<hbm>>
      %dma_wait3A_604 = tpu.memref_squeeze %dma_wait3A_603 : memref<1x7x96xi32, #tpu.memory_space<hbm>> -> memref<7x96xi32, #tpu.memory_space<hbm>>
      tpu.wait_dma2 semaphore(%run_scoped3A : memref<!tpu.dma_semaphore, #tpu.memory_space<semaphore_mem>>) src(%dma_wait3A_604 : memref<7x96xi32, #tpu.memory_space<hbm>>) dst(%arg9 : memref<7x96xi32, #tpu.memory_space<vmem>>)
      tpu.yield
    }) : () -> ()
    %dma_start3A = arith.constant 0 : i32
    %dma_start3A_3 = arith.constant 0 : i32
    %dma_start3A_4 = arith.constant 0 : i32
    %dma_start3A_5 = tpu.memref_slice %arg10[%dma_start3A_3, %dma_start3A_4] : memref<672x128xf32, #tpu.memory_space<vmem>> -> memref<96x128xf32, #tpu.memory_space<vmem>>
    %dma_start3A_6 = arith.constant 0 : i32
    %dma_start3A_7 = tpu.memref_slice %arg8[%dma_start3A, %dma_start3A_6] : memref<7x96xi32, #tpu.memory_space<vmem>> -> memref<1x96xi32, #tpu.memory_space<vmem>>
    %dma_start3A_8 = tpu.memref_squeeze %dma_start3A_7 : memref<1x96xi32, #tpu.memory_space<vmem>> -> memref<96xi32, #tpu.memory_space<vmem>>
    %dma_start3A_9 = arith.constant 0 : i32
    %dma_start3A_10 = arith.constant 0 : i32
    %dma_start3A_11 = tpu.memref_slice %arg2[%dma_start3A_9, %dma_start3A_10] : memref<100001x128xf32, #tpu.memory_space<hbm>> -> memref<100001x128xf32, #tpu.memory_space<hbm>>
    tpu.enqueue_indirect_dma source(%dma_start3A_11 : memref<100001x128xf32, #tpu.memory_space<hbm>>) target(%dma_start3A_5 : memref<96x128xf32, #tpu.memory_space<vmem>>) offsets(%dma_start3A_8 : memref<96xi32, #tpu.memory_space<vmem>>) semaphore(%arg11 : memref<!tpu.dma_semaphore, #tpu.memory_space<semaphore_mem>>)
    %dma_start3A_12 = arith.constant 1 : i32
    %dma_start3A_13 = arith.constant 96 : i32
    %dma_start3A_14 = arith.constant 0 : i32
    %dma_start3A_15 = tpu.memref_slice %arg10[%dma_start3A_13, %dma_start3A_14] : memref<672x128xf32, #tpu.memory_space<vmem>> -> memref<96x128xf32, #tpu.memory_space<vmem>>
    %dma_start3A_16 = arith.constant 0 : i32
    %dma_start3A_17 = tpu.memref_slice %arg8[%dma_start3A_12, %dma_start3A_16] : memref<7x96xi32, #tpu.memory_space<vmem>> -> memref<1x96xi32, #tpu.memory_space<vmem>>
    %dma_start3A_18 = tpu.memref_squeeze %dma_start3A_17 : memref<1x96xi32, #tpu.memory_space<vmem>> -> memref<96xi32, #tpu.memory_space<vmem>>
    %dma_start3A_19 = arith.constant 0 : i32
    %dma_start3A_20 = arith.constant 0 : i32
    %dma_start3A_21 = tpu.memref_slice %arg2[%dma_start3A_19, %dma_start3A_20] : memref<100001x128xf32, #tpu.memory_space<hbm>> -> memref<100001x128xf32, #tpu.memory_space<hbm>>
    tpu.enqueue_indirect_dma source(%dma_start3A_21 : memref<100001x128xf32, #tpu.memory_space<hbm>>) target(%dma_start3A_15 : memref<96x128xf32, #tpu.memory_space<vmem>>) offsets(%dma_start3A_18 : memref<96xi32, #tpu.memory_space<vmem>>) semaphore(%arg11 : memref<!tpu.dma_semaphore, #tpu.memory_space<semaphore_mem>>)
    %dma_start3A_22 = arith.constant 2 : i32
    %dma_start3A_23 = arith.constant 192 : i32
    %dma_start3A_24 = arith.constant 0 : i32
    %dma_start3A_25 = tpu.memref_slice %arg10[%dma_start3A_23, %dma_start3A_24] : memref<672x128xf32, #tpu.memory_space<vmem>> -> memref<96x128xf32, #tpu.memory_space<vmem>>
    %dma_start3A_26 = arith.constant 0 : i32
    %dma_start3A_27 = tpu.memref_slice %arg8[%dma_start3A_22, %dma_start3A_26] : memref<7x96xi32, #tpu.memory_space<vmem>> -> memref<1x96xi32, #tpu.memory_space<vmem>>
    %dma_start3A_28 = tpu.memref_squeeze %dma_start3A_27 : memref<1x96xi32, #tpu.memory_space<vmem>> -> memref<96xi32, #tpu.memory_space<vmem>>
    %dma_start3A_29 = arith.constant 0 : i32
    %dma_start3A_30 = arith.constant 0 : i32
    %dma_start3A_31 = tpu.memref_slice %arg2[%dma_start3A_29, %dma_start3A_30] : memref<100001x128xf32, #tpu.memory_space<hbm>> -> memref<100001x128xf32, #tpu.memory_space<hbm>>
    tpu.enqueue_indirect_dma source(%dma_start3A_31 : memref<100001x128xf32, #tpu.memory_space<hbm>>) target(%dma_start3A_25 : memref<96x128xf32, #tpu.memory_space<vmem>>) offsets(%dma_start3A_28 : memref<96xi32, #tpu.memory_space<vmem>>) semaphore(%arg11 : memref<!tpu.dma_semaphore, #tpu.memory_space<semaphore_mem>>)
    %dma_start3A_32 = arith.constant 3 : i32
    %dma_start3A_33 = arith.constant 288 : i32
    %dma_start3A_34 = arith.constant 0 : i32
    %dma_start3A_35 = tpu.memref_slice %arg10[%dma_start3A_33, %dma_start3A_34] : memref<672x128xf32, #tpu.memory_space<vmem>> -> memref<96x128xf32, #tpu.memory_space<vmem>>
    %dma_start3A_36 = arith.constant 0 : i32
    %dma_start3A_37 = tpu.memref_slice %arg8[%dma_start3A_32, %dma_start3A_36] : memref<7x96xi32, #tpu.memory_space<vmem>> -> memref<1x96xi32, #tpu.memory_space<vmem>>
    %dma_start3A_38 = tpu.memref_squeeze %dma_start3A_37 : memref<1x96xi32, #tpu.memory_space<vmem>> -> memref<96xi32, #tpu.memory_space<vmem>>
    %dma_start3A_39 = arith.constant 0 : i32
    %dma_start3A_40 = arith.constant 0 : i32
    %dma_start3A_41 = tpu.memref_slice %arg2[%dma_start3A_39, %dma_start3A_40] : memref<100001x128xf32, #tpu.memory_space<hbm>> -> memref<100001x128xf32, #tpu.memory_space<hbm>>
    tpu.enqueue_indirect_dma source(%dma_start3A_41 : memref<100001x128xf32, #tpu.memory_space<hbm>>) target(%dma_start3A_35 : memref<96x128xf32, #tpu.memory_space<vmem>>) offsets(%dma_start3A_38 : memref<96xi32, #tpu.memory_space<vmem>>) semaphore(%arg11 : memref<!tpu.dma_semaphore, #tpu.memory_space<semaphore_mem>>)
    %dma_start3A_42 = arith.constant 4 : i32
    %dma_start3A_43 = arith.constant 384 : i32
    %dma_start3A_44 = arith.constant 0 : i32
    %dma_start3A_45 = tpu.memref_slice %arg10[%dma_start3A_43, %dma_start3A_44] : memref<672x128xf32, #tpu.memory_space<vmem>> -> memref<96x128xf32, #tpu.memory_space<vmem>>
    %dma_start3A_46 = arith.constant 0 : i32
    %dma_start3A_47 = tpu.memref_slice %arg8[%dma_start3A_42, %dma_start3A_46] : memref<7x96xi32, #tpu.memory_space<vmem>> -> memref<1x96xi32, #tpu.memory_space<vmem>>
    %dma_start3A_48 = tpu.memref_squeeze %dma_start3A_47 : memref<1x96xi32, #tpu.memory_space<vmem>> -> memref<96xi32, #tpu.memory_space<vmem>>
    %dma_start3A_49 = arith.constant 0 : i32
    %dma_start3A_50 = arith.constant 0 : i32
    %dma_start3A_51 = tpu.memref_slice %arg2[%dma_start3A_49, %dma_start3A_50] : memref<100001x128xf32, #tpu.memory_space<hbm>> -> memref<100001x128xf32, #tpu.memory_space<hbm>>
    tpu.enqueue_indirect_dma source(%dma_start3A_51 : memref<100001x128xf32, #tpu.memory_space<hbm>>) target(%dma_start3A_45 : memref<96x128xf32, #tpu.memory_space<vmem>>) offsets(%dma_start3A_48 : memref<96xi32, #tpu.memory_space<vmem>>) semaphore(%arg11 : memref<!tpu.dma_semaphore, #tpu.memory_space<semaphore_mem>>)
    %dma_start3A_52 = arith.constant 5 : i32
    %dma_start3A_53 = arith.constant 480 : i32
    %dma_start3A_54 = arith.constant 0 : i32
    %dma_start3A_55 = tpu.memref_slice %arg10[%dma_start3A_53, %dma_start3A_54] : memref<672x128xf32, #tpu.memory_space<vmem>> -> memref<96x128xf32, #tpu.memory_space<vmem>>
    %dma_start3A_56 = arith.constant 0 : i32
    %dma_start3A_57 = tpu.memref_slice %arg8[%dma_start3A_52, %dma_start3A_56] : memref<7x96xi32, #tpu.memory_space<vmem>> -> memref<1x96xi32, #tpu.memory_space<vmem>>
    %dma_start3A_58 = tpu.memref_squeeze %dma_start3A_57 : memref<1x96xi32, #tpu.memory_space<vmem>> -> memref<96xi32, #tpu.memory_space<vmem>>
    %dma_start3A_59 = arith.constant 0 : i32
    %dma_start3A_60 = arith.constant 0 : i32
    %dma_start3A_61 = tpu.memref_slice %arg2[%dma_start3A_59, %dma_start3A_60] : memref<100001x128xf32, #tpu.memory_space<hbm>> -> memref<100001x128xf32, #tpu.memory_space<hbm>>
    tpu.enqueue_indirect_dma source(%dma_start3A_61 : memref<100001x128xf32, #tpu.memory_space<hbm>>) target(%dma_start3A_55 : memref<96x128xf32, #tpu.memory_space<vmem>>) offsets(%dma_start3A_58 : memref<96xi32, #tpu.memory_space<vmem>>) semaphore(%arg11 : memref<!tpu.dma_semaphore, #tpu.memory_space<semaphore_mem>>)
    %dma_start3A_62 = arith.constant 6 : i32
    %dma_start3A_63 = arith.constant 576 : i32
    %dma_start3A_64 = arith.constant 0 : i32
    %dma_start3A_65 = tpu.memref_slice %arg10[%dma_start3A_63, %dma_start3A_64] : memref<672x128xf32, #tpu.memory_space<vmem>> -> memref<96x128xf32, #tpu.memory_space<vmem>>
    %dma_start3A_66 = arith.constant 0 : i32
    %dma_start3A_67 = tpu.memref_slice %arg8[%dma_start3A_62, %dma_start3A_66] : memref<7x96xi32, #tpu.memory_space<vmem>> -> memref<1x96xi32, #tpu.memory_space<vmem>>
    %dma_start3A_68 = tpu.memref_squeeze %dma_start3A_67 : memref<1x96xi32, #tpu.memory_space<vmem>> -> memref<96xi32, #tpu.memory_space<vmem>>
    %dma_start3A_69 = arith.constant 0 : i32
    %dma_start3A_70 = arith.constant 0 : i32
    %dma_start3A_71 = tpu.memref_slice %arg2[%dma_start3A_69, %dma_start3A_70] : memref<100001x128xf32, #tpu.memory_space<hbm>> -> memref<100001x128xf32, #tpu.memory_space<hbm>>
    tpu.enqueue_indirect_dma source(%dma_start3A_71 : memref<100001x128xf32, #tpu.memory_space<hbm>>) target(%dma_start3A_65 : memref<96x128xf32, #tpu.memory_space<vmem>>) offsets(%dma_start3A_68 : memref<96xi32, #tpu.memory_space<vmem>>) semaphore(%arg11 : memref<!tpu.dma_semaphore, #tpu.memory_space<semaphore_mem>>)
    %dma_wait3A = arith.constant 0 : i32
    %dma_wait3A_72 = arith.constant 0 : i32
    %dma_wait3A_73 = arith.constant 0 : i32
    %dma_wait3A_74 = tpu.memref_slice %arg10[%dma_wait3A_72, %dma_wait3A_73] : memref<672x128xf32, #tpu.memory_space<vmem>> -> memref<96x128xf32, #tpu.memory_space<vmem>>
    %dma_wait3A_75 = arith.constant 0 : i32
    %dma_wait3A_76 = tpu.memref_slice %arg8[%dma_wait3A, %dma_wait3A_75] : memref<7x96xi32, #tpu.memory_space<vmem>> -> memref<1x96xi32, #tpu.memory_space<vmem>>
    %dma_wait3A_77 = tpu.memref_squeeze %dma_wait3A_76 : memref<1x96xi32, #tpu.memory_space<vmem>> -> memref<96xi32, #tpu.memory_space<vmem>>
    %dma_wait3A_78 = arith.constant 0 : i32
    %dma_wait3A_79 = arith.constant 0 : i32
    %dma_wait3A_80 = tpu.memref_slice %arg2[%dma_wait3A_78, %dma_wait3A_79] : memref<100001x128xf32, #tpu.memory_space<hbm>> -> memref<100001x128xf32, #tpu.memory_space<hbm>>
    tpu.wait_indirect_dma semaphore(%arg11 : memref<!tpu.dma_semaphore, #tpu.memory_space<semaphore_mem>>) src(%dma_wait3A_80 : memref<100001x128xf32, #tpu.memory_space<hbm>>) dst(%dma_wait3A_74 : memref<96x128xf32, #tpu.memory_space<vmem>>)
    %add3A_81 = arith.constant 0 : i32
    %add3A_82 = arith.addi %mul3A_2, %add3A_81 : i32
    %dma_start3A_83 = arith.constant 0 : i32
    %dma_start3A_84 = arith.constant 0 : i32
    %dma_start3A_85 = tpu.memref_slice %arg10[%dma_start3A_83, %dma_start3A_84] : memref<672x128xf32, #tpu.memory_space<vmem>> -> memref<96x128xf32, #tpu.memory_space<vmem>>
    %dma_start3A_86 = arith.constant 0 : i32
    %dma_start3A_87 = tpu.memref_slice %arg6[%add3A_82, %dma_start3A_86] : memref<21504x128xf32, #tpu.memory_space<hbm>> -> memref<96x128xf32, #tpu.memory_space<hbm>>
    %dma_start3A_88 = arith.constant 0 : i32
    %dma_start3A_89 = tpu.memref_slice %arg6[%add3A_82, %dma_start3A_88] : memref<21504x128xf32, #tpu.memory_space<hbm>> -> memref<96x128xf32, #tpu.memory_space<hbm>>
    %dma_start3A_90 = arith.constant 0 : i32
    %dma_start3A_91 = arith.constant 0 : i32
    %dma_start3A_92 = tpu.memref_slice %arg10[%dma_start3A_90, %dma_start3A_91] : memref<672x128xf32, #tpu.memory_space<vmem>> -> memref<96x128xf32, #tpu.memory_space<vmem>>
    tpu.enqueue_dma source(%dma_start3A_92 : memref<96x128xf32, #tpu.memory_space<vmem>>) target(%dma_start3A_89 : memref<96x128xf32, #tpu.memory_space<hbm>>) target_semaphore(%arg12 : memref<!tpu.dma_semaphore, #tpu.memory_space<semaphore_mem>>)
    %dma_wait3A_93 = arith.constant 1 : i32
    %dma_wait3A_94 = arith.constant 96 : i32
    %dma_wait3A_95 = arith.constant 0 : i32
    %dma_wait3A_96 = tpu.memref_slice %arg10[%dma_wait3A_94, %dma_wait3A_95] : memref<672x128xf32, #tpu.memory_space<vmem>> -> memref<96x128xf32, #tpu.memory_space<vmem>>
    %dma_wait3A_97 = arith.constant 0 : i32
    %dma_wait3A_98 = tpu.memref_slice %arg8[%dma_wait3A_93, %dma_wait3A_97] : memref<7x96xi32, #tpu.memory_space<vmem>> -> memref<1x96xi32, #tpu.memory_space<vmem>>
    %dma_wait3A_99 = tpu.memref_squeeze %dma_wait3A_98 : memref<1x96xi32, #tpu.memory_space<vmem>> -> memref<96xi32, #tpu.memory_space<vmem>>
    %dma_wait3A_100 = arith.constant 0 : i32
    %dma_wait3A_101 = arith.constant 0 : i32
    %dma_wait3A_102 = tpu.memref_slice %arg2[%dma_wait3A_100, %dma_wait3A_101] : memref<100001x128xf32, #tpu.memory_space<hbm>> -> memref<100001x128xf32, #tpu.memory_space<hbm>>
    tpu.wait_indirect_dma semaphore(%arg11 : memref<!tpu.dma_semaphore, #tpu.memory_space<semaphore_mem>>) src(%dma_wait3A_102 : memref<100001x128xf32, #tpu.memory_space<hbm>>) dst(%dma_wait3A_96 : memref<96x128xf32, #tpu.memory_space<vmem>>)
    %add3A_103 = arith.constant 96 : i32
    %add3A_104 = arith.addi %mul3A_2, %add3A_103 : i32
    %dma_start3A_105 = arith.constant 96 : i32
    %dma_start3A_106 = arith.constant 0 : i32
    %dma_start3A_107 = tpu.memref_slice %arg10[%dma_start3A_105, %dma_start3A_106] : memref<672x128xf32, #tpu.memory_space<vmem>> -> memref<96x128xf32, #tpu.memory_space<vmem>>
    %dma_start3A_108 = arith.constant 0 : i32
    %dma_start3A_109 = tpu.memref_slice %arg6[%add3A_104, %dma_start3A_108] : memref<21504x128xf32, #tpu.memory_space<hbm>> -> memref<96x128xf32, #tpu.memory_space<hbm>>
    %dma_start3A_110 = arith.constant 0 : i32
    %dma_start3A_111 = tpu.memref_slice %arg6[%add3A_104, %dma_start3A_110] : memref<21504x128xf32, #tpu.memory_space<hbm>> -> memref<96x128xf32, #tpu.memory_space<hbm>>
    %dma_start3A_112 = arith.constant 96 : i32
    %dma_start3A_113 = arith.constant 0 : i32
    %dma_start3A_114 = tpu.memref_slice %arg10[%dma_start3A_112, %dma_start3A_113] : memref<672x128xf32, #tpu.memory_space<vmem>> -> memref<96x128xf32, #tpu.memory_space<vmem>>
    tpu.enqueue_dma source(%dma_start3A_114 : memref<96x128xf32, #tpu.memory_space<vmem>>) target(%dma_start3A_111 : memref<96x128xf32, #tpu.memory_space<hbm>>) target_semaphore(%arg12 : memref<!tpu.dma_semaphore, #tpu.memory_space<semaphore_mem>>)
    %dma_wait3A_115 = arith.constant 2 : i32
    %dma_wait3A_116 = arith.constant 192 : i32
    %dma_wait3A_117 = arith.constant 0 : i32
    %dma_wait3A_118 = tpu.memref_slice %arg10[%dma_wait3A_116, %dma_wait3A_117] : memref<672x128xf32, #tpu.memory_space<vmem>> -> memref<96x128xf32, #tpu.memory_space<vmem>>
    %dma_wait3A_119 = arith.constant 0 : i32
    %dma_wait3A_120 = tpu.memref_slice %arg8[%dma_wait3A_115, %dma_wait3A_119] : memref<7x96xi32, #tpu.memory_space<vmem>> -> memref<1x96xi32, #tpu.memory_space<vmem>>
    %dma_wait3A_121 = tpu.memref_squeeze %dma_wait3A_120 : memref<1x96xi32, #tpu.memory_space<vmem>> -> memref<96xi32, #tpu.memory_space<vmem>>
    %dma_wait3A_122 = arith.constant 0 : i32
    %dma_wait3A_123 = arith.constant 0 : i32
    %dma_wait3A_124 = tpu.memref_slice %arg2[%dma_wait3A_122, %dma_wait3A_123] : memref<100001x128xf32, #tpu.memory_space<hbm>> -> memref<100001x128xf32, #tpu.memory_space<hbm>>
    tpu.wait_indirect_dma semaphore(%arg11 : memref<!tpu.dma_semaphore, #tpu.memory_space<semaphore_mem>>) src(%dma_wait3A_124 : memref<100001x128xf32, #tpu.memory_space<hbm>>) dst(%dma_wait3A_118 : memref<96x128xf32, #tpu.memory_space<vmem>>)
    %add3A_125 = arith.constant 192 : i32
    %add3A_126 = arith.addi %mul3A_2, %add3A_125 : i32
    %dma_start3A_127 = arith.constant 192 : i32
    %dma_start3A_128 = arith.constant 0 : i32
    %dma_start3A_129 = tpu.memref_slice %arg10[%dma_start3A_127, %dma_start3A_128] : memref<672x128xf32, #tpu.memory_space<vmem>> -> memref<96x128xf32, #tpu.memory_space<vmem>>
    %dma_start3A_130 = arith.constant 0 : i32
    %dma_start3A_131 = tpu.memref_slice %arg6[%add3A_126, %dma_start3A_130] : memref<21504x128xf32, #tpu.memory_space<hbm>> -> memref<96x128xf32, #tpu.memory_space<hbm>>
    %dma_start3A_132 = arith.constant 0 : i32
    %dma_start3A_133 = tpu.memref_slice %arg6[%add3A_126, %dma_start3A_132] : memref<21504x128xf32, #tpu.memory_space<hbm>> -> memref<96x128xf32, #tpu.memory_space<hbm>>
    %dma_start3A_134 = arith.constant 192 : i32
    %dma_start3A_135 = arith.constant 0 : i32
    %dma_start3A_136 = tpu.memref_slice %arg10[%dma_start3A_134, %dma_start3A_135] : memref<672x128xf32, #tpu.memory_space<vmem>> -> memref<96x128xf32, #tpu.memory_space<vmem>>
    tpu.enqueue_dma source(%dma_start3A_136 : memref<96x128xf32, #tpu.memory_space<vmem>>) target(%dma_start3A_133 : memref<96x128xf32, #tpu.memory_space<hbm>>) target_semaphore(%arg12 : memref<!tpu.dma_semaphore, #tpu.memory_space<semaphore_mem>>)
    %dma_wait3A_137 = arith.constant 3 : i32
    %dma_wait3A_138 = arith.constant 288 : i32
    %dma_wait3A_139 = arith.constant 0 : i32
    %dma_wait3A_140 = tpu.memref_slice %arg10[%dma_wait3A_138, %dma_wait3A_139] : memref<672x128xf32, #tpu.memory_space<vmem>> -> memref<96x128xf32, #tpu.memory_space<vmem>>
    %dma_wait3A_141 = arith.constant 0 : i32
    %dma_wait3A_142 = tpu.memref_slice %arg8[%dma_wait3A_137, %dma_wait3A_141] : memref<7x96xi32, #tpu.memory_space<vmem>> -> memref<1x96xi32, #tpu.memory_space<vmem>>
    %dma_wait3A_143 = tpu.memref_squeeze %dma_wait3A_142 : memref<1x96xi32, #tpu.memory_space<vmem>> -> memref<96xi32, #tpu.memory_space<vmem>>
    %dma_wait3A_144 = arith.constant 0 : i32
    %dma_wait3A_145 = arith.constant 0 : i32
    %dma_wait3A_146 = tpu.memref_slice %arg2[%dma_wait3A_144, %dma_wait3A_145] : memref<100001x128xf32, #tpu.memory_space<hbm>> -> memref<100001x128xf32, #tpu.memory_space<hbm>>
    tpu.wait_indirect_dma semaphore(%arg11 : memref<!tpu.dma_semaphore, #tpu.memory_space<semaphore_mem>>) src(%dma_wait3A_146 : memref<100001x128xf32, #tpu.memory_space<hbm>>) dst(%dma_wait3A_140 : memref<96x128xf32, #tpu.memory_space<vmem>>)
    %add3A_147 = arith.constant 288 : i32
    %add3A_148 = arith.addi %mul3A_2, %add3A_147 : i32
    %dma_start3A_149 = arith.constant 288 : i32
    %dma_start3A_150 = arith.constant 0 : i32
    %dma_start3A_151 = tpu.memref_slice %arg10[%dma_start3A_149, %dma_start3A_150] : memref<672x128xf32, #tpu.memory_space<vmem>> -> memref<96x128xf32, #tpu.memory_space<vmem>>
    %dma_start3A_152 = arith.constant 0 : i32
    %dma_start3A_153 = tpu.memref_slice %arg6[%add3A_148, %dma_start3A_152] : memref<21504x128xf32, #tpu.memory_space<hbm>> -> memref<96x128xf32, #tpu.memory_space<hbm>>
    %dma_start3A_154 = arith.constant 0 : i32
    %dma_start3A_155 = tpu.memref_slice %arg6[%add3A_148, %dma_start3A_154] : memref<21504x128xf32, #tpu.memory_space<hbm>> -> memref<96x128xf32, #tpu.memory_space<hbm>>
    %dma_start3A_156 = arith.constant 288 : i32
    %dma_start3A_157 = arith.constant 0 : i32
    %dma_start3A_158 = tpu.memref_slice %arg10[%dma_start3A_156, %dma_start3A_157] : memref<672x128xf32, #tpu.memory_space<vmem>> -> memref<96x128xf32, #tpu.memory_space<vmem>>
    tpu.enqueue_dma source(%dma_start3A_158 : memref<96x128xf32, #tpu.memory_space<vmem>>) target(%dma_start3A_155 : memref<96x128xf32, #tpu.memory_space<hbm>>) target_semaphore(%arg12 : memref<!tpu.dma_semaphore, #tpu.memory_space<semaphore_mem>>)
    %dma_wait3A_159 = arith.constant 4 : i32
    %dma_wait3A_160 = arith.constant 384 : i32
    %dma_wait3A_161 = arith.constant 0 : i32
    %dma_wait3A_162 = tpu.memref_slice %arg10[%dma_wait3A_160, %dma_wait3A_161] : memref<672x128xf32, #tpu.memory_space<vmem>> -> memref<96x128xf32, #tpu.memory_space<vmem>>
    %dma_wait3A_163 = arith.constant 0 : i32
    %dma_wait3A_164 = tpu.memref_slice %arg8[%dma_wait3A_159, %dma_wait3A_163] : memref<7x96xi32, #tpu.memory_space<vmem>> -> memref<1x96xi32, #tpu.memory_space<vmem>>
    %dma_wait3A_165 = tpu.memref_squeeze %dma_wait3A_164 : memref<1x96xi32, #tpu.memory_space<vmem>> -> memref<96xi32, #tpu.memory_space<vmem>>
    %dma_wait3A_166 = arith.constant 0 : i32
    %dma_wait3A_167 = arith.constant 0 : i32
    %dma_wait3A_168 = tpu.memref_slice %arg2[%dma_wait3A_166, %dma_wait3A_167] : memref<100001x128xf32, #tpu.memory_space<hbm>> -> memref<100001x128xf32, #tpu.memory_space<hbm>>
    tpu.wait_indirect_dma semaphore(%arg11 : memref<!tpu.dma_semaphore, #tpu.memory_space<semaphore_mem>>) src(%dma_wait3A_168 : memref<100001x128xf32, #tpu.memory_space<hbm>>) dst(%dma_wait3A_162 : memref<96x128xf32, #tpu.memory_space<vmem>>)
    %add3A_169 = arith.constant 384 : i32
    %add3A_170 = arith.addi %mul3A_2, %add3A_169 : i32
    %dma_start3A_171 = arith.constant 384 : i32
    %dma_start3A_172 = arith.constant 0 : i32
    %dma_start3A_173 = tpu.memref_slice %arg10[%dma_start3A_171, %dma_start3A_172] : memref<672x128xf32, #tpu.memory_space<vmem>> -> memref<96x128xf32, #tpu.memory_space<vmem>>
    %dma_start3A_174 = arith.constant 0 : i32
    %dma_start3A_175 = tpu.memref_slice %arg6[%add3A_170, %dma_start3A_174] : memref<21504x128xf32, #tpu.memory_space<hbm>> -> memref<96x128xf32, #tpu.memory_space<hbm>>
    %dma_start3A_176 = arith.constant 0 : i32
    %dma_start3A_177 = tpu.memref_slice %arg6[%add3A_170, %dma_start3A_176] : memref<21504x128xf32, #tpu.memory_space<hbm>> -> memref<96x128xf32, #tpu.memory_space<hbm>>
    %dma_start3A_178 = arith.constant 384 : i32
    %dma_start3A_179 = arith.constant 0 : i32
    %dma_start3A_180 = tpu.memref_slice %arg10[%dma_start3A_178, %dma_start3A_179] : memref<672x128xf32, #tpu.memory_space<vmem>> -> memref<96x128xf32, #tpu.memory_space<vmem>>
    tpu.enqueue_dma source(%dma_start3A_180 : memref<96x128xf32, #tpu.memory_space<vmem>>) target(%dma_start3A_177 : memref<96x128xf32, #tpu.memory_space<hbm>>) target_semaphore(%arg12 : memref<!tpu.dma_semaphore, #tpu.memory_space<semaphore_mem>>)
    %dma_wait3A_181 = arith.constant 5 : i32
    %dma_wait3A_182 = arith.constant 480 : i32
    %dma_wait3A_183 = arith.constant 0 : i32
    %dma_wait3A_184 = tpu.memref_slice %arg10[%dma_wait3A_182, %dma_wait3A_183] : memref<672x128xf32, #tpu.memory_space<vmem>> -> memref<96x128xf32, #tpu.memory_space<vmem>>
    %dma_wait3A_185 = arith.constant 0 : i32
    %dma_wait3A_186 = tpu.memref_slice %arg8[%dma_wait3A_181, %dma_wait3A_185] : memref<7x96xi32, #tpu.memory_space<vmem>> -> memref<1x96xi32, #tpu.memory_space<vmem>>
    %dma_wait3A_187 = tpu.memref_squeeze %dma_wait3A_186 : memref<1x96xi32, #tpu.memory_space<vmem>> -> memref<96xi32, #tpu.memory_space<vmem>>
    %dma_wait3A_188 = arith.constant 0 : i32
    %dma_wait3A_189 = arith.constant 0 : i32
    %dma_wait3A_190 = tpu.memref_slice %arg2[%dma_wait3A_188, %dma_wait3A_189] : memref<100001x128xf32, #tpu.memory_space<hbm>> -> memref<100001x128xf32, #tpu.memory_space<hbm>>
    tpu.wait_indirect_dma semaphore(%arg11 : memref<!tpu.dma_semaphore, #tpu.memory_space<semaphore_mem>>) src(%dma_wait3A_190 : memref<100001x128xf32, #tpu.memory_space<hbm>>) dst(%dma_wait3A_184 : memref<96x128xf32, #tpu.memory_space<vmem>>)
    %add3A_191 = arith.constant 480 : i32
    %add3A_192 = arith.addi %mul3A_2, %add3A_191 : i32
    %dma_start3A_193 = arith.constant 480 : i32
    %dma_start3A_194 = arith.constant 0 : i32
    %dma_start3A_195 = tpu.memref_slice %arg10[%dma_start3A_193, %dma_start3A_194] : memref<672x128xf32, #tpu.memory_space<vmem>> -> memref<96x128xf32, #tpu.memory_space<vmem>>
    %dma_start3A_196 = arith.constant 0 : i32
    %dma_start3A_197 = tpu.memref_slice %arg6[%add3A_192, %dma_start3A_196] : memref<21504x128xf32, #tpu.memory_space<hbm>> -> memref<96x128xf32, #tpu.memory_space<hbm>>
    %dma_start3A_198 = arith.constant 0 : i32
    %dma_start3A_199 = tpu.memref_slice %arg6[%add3A_192, %dma_start3A_198] : memref<21504x128xf32, #tpu.memory_space<hbm>> -> memref<96x128xf32, #tpu.memory_space<hbm>>
    %dma_start3A_200 = arith.constant 480 : i32
    %dma_start3A_201 = arith.constant 0 : i32
    %dma_start3A_202 = tpu.memref_slice %arg10[%dma_start3A_200, %dma_start3A_201] : memref<672x128xf32, #tpu.memory_space<vmem>> -> memref<96x128xf32, #tpu.memory_space<vmem>>
    tpu.enqueue_dma source(%dma_start3A_202 : memref<96x128xf32, #tpu.memory_space<vmem>>) target(%dma_start3A_199 : memref<96x128xf32, #tpu.memory_space<hbm>>) target_semaphore(%arg12 : memref<!tpu.dma_semaphore, #tpu.memory_space<semaphore_mem>>)
    %dma_wait3A_203 = arith.constant 6 : i32
    %dma_wait3A_204 = arith.constant 576 : i32
    %dma_wait3A_205 = arith.constant 0 : i32
    %dma_wait3A_206 = tpu.memref_slice %arg10[%dma_wait3A_204, %dma_wait3A_205] : memref<672x128xf32, #tpu.memory_space<vmem>> -> memref<96x128xf32, #tpu.memory_space<vmem>>
    %dma_wait3A_207 = arith.constant 0 : i32
    %dma_wait3A_208 = tpu.memref_slice %arg8[%dma_wait3A_203, %dma_wait3A_207] : memref<7x96xi32, #tpu.memory_space<vmem>> -> memref<1x96xi32, #tpu.memory_space<vmem>>
    %dma_wait3A_209 = tpu.memref_squeeze %dma_wait3A_208 : memref<1x96xi32, #tpu.memory_space<vmem>> -> memref<96xi32, #tpu.memory_space<vmem>>
    %dma_wait3A_210 = arith.constant 0 : i32
    %dma_wait3A_211 = arith.constant 0 : i32
    %dma_wait3A_212 = tpu.memref_slice %arg2[%dma_wait3A_210, %dma_wait3A_211] : memref<100001x128xf32, #tpu.memory_space<hbm>> -> memref<100001x128xf32, #tpu.memory_space<hbm>>
    tpu.wait_indirect_dma semaphore(%arg11 : memref<!tpu.dma_semaphore, #tpu.memory_space<semaphore_mem>>) src(%dma_wait3A_212 : memref<100001x128xf32, #tpu.memory_space<hbm>>) dst(%dma_wait3A_206 : memref<96x128xf32, #tpu.memory_space<vmem>>)
    %add3A_213 = arith.constant 576 : i32
    %add3A_214 = arith.addi %mul3A_2, %add3A_213 : i32
    %dma_start3A_215 = arith.constant 576 : i32
    %dma_start3A_216 = arith.constant 0 : i32
    %dma_start3A_217 = tpu.memref_slice %arg10[%dma_start3A_215, %dma_start3A_216] : memref<672x128xf32, #tpu.memory_space<vmem>> -> memref<96x128xf32, #tpu.memory_space<vmem>>
    %dma_start3A_218 = arith.constant 0 : i32
    %dma_start3A_219 = tpu.memref_slice %arg6[%add3A_214, %dma_start3A_218] : memref<21504x128xf32, #tpu.memory_space<hbm>> -> memref<96x128xf32, #tpu.memory_space<hbm>>
    %dma_start3A_220 = arith.constant 0 : i32
    %dma_start3A_221 = tpu.memref_slice %arg6[%add3A_214, %dma_start3A_220] : memref<21504x128xf32, #tpu.memory_space<hbm>> -> memref<96x128xf32, #tpu.memory_space<hbm>>
    %dma_start3A_222 = arith.constant 576 : i32
    %dma_start3A_223 = arith.constant 0 : i32
    %dma_start3A_224 = tpu.memref_slice %arg10[%dma_start3A_222, %dma_start3A_223] : memref<672x128xf32, #tpu.memory_space<vmem>> -> memref<96x128xf32, #tpu.memory_space<vmem>>
    tpu.enqueue_dma source(%dma_start3A_224 : memref<96x128xf32, #tpu.memory_space<vmem>>) target(%dma_start3A_221 : memref<96x128xf32, #tpu.memory_space<hbm>>) target_semaphore(%arg12 : memref<!tpu.dma_semaphore, #tpu.memory_space<semaphore_mem>>)
    %dma_wait3A_225 = arith.constant 0 : i32
    %dma_wait3A_226 = arith.constant 0 : i32
    %dma_wait3A_227 = tpu.memref_slice %arg10[%dma_wait3A_225, %dma_wait3A_226] : memref<672x128xf32, #tpu.memory_space<vmem>> -> memref<96x128xf32, #tpu.memory_space<vmem>>
    %dma_wait3A_228 = arith.constant 0 : i32
    %dma_wait3A_229 = tpu.memref_slice %arg6[%add3A_82, %dma_wait3A_228] : memref<21504x128xf32, #tpu.memory_space<hbm>> -> memref<96x128xf32, #tpu.memory_space<hbm>>
    %dma_wait3A_230 = arith.constant 0 : i32
    %dma_wait3A_231 = tpu.memref_slice %arg6[%add3A_82, %dma_wait3A_230] : memref<21504x128xf32, #tpu.memory_space<hbm>> -> memref<96x128xf32, #tpu.memory_space<hbm>>
    %dma_wait3A_232 = arith.constant 0 : i32
    %dma_wait3A_233 = arith.constant 0 : i32
    %dma_wait3A_234 = tpu.memref_slice %arg10[%dma_wait3A_232, %dma_wait3A_233] : memref<672x128xf32, #tpu.memory_space<vmem>> -> memref<96x128xf32, #tpu.memory_space<vmem>>
    tpu.wait_dma2 semaphore(%arg12 : memref<!tpu.dma_semaphore, #tpu.memory_space<semaphore_mem>>) src(%dma_wait3A_234 : memref<96x128xf32, #tpu.memory_space<vmem>>) dst(%dma_wait3A_231 : memref<96x128xf32, #tpu.memory_space<hbm>>)
    %dma_start3A_235 = arith.constant 0 : i32
    %dma_start3A_236 = arith.constant 0 : i32
    %dma_start3A_237 = arith.constant 0 : i32
    %dma_start3A_238 = tpu.memref_slice %arg10[%dma_start3A_236, %dma_start3A_237] : memref<672x128xf32, #tpu.memory_space<vmem>> -> memref<96x128xf32, #tpu.memory_space<vmem>>
    %dma_start3A_239 = arith.constant 0 : i32
    %dma_start3A_240 = tpu.memref_slice %arg9[%dma_start3A_235, %dma_start3A_239] : memref<7x96xi32, #tpu.memory_space<vmem>> -> memref<1x96xi32, #tpu.memory_space<vmem>>
    %dma_start3A_241 = tpu.memref_squeeze %dma_start3A_240 : memref<1x96xi32, #tpu.memory_space<vmem>> -> memref<96xi32, #tpu.memory_space<vmem>>
    %dma_start3A_242 = arith.constant 0 : i32
    %dma_start3A_243 = arith.constant 0 : i32
    %dma_start3A_244 = tpu.memref_slice %arg3[%dma_start3A_242, %dma_start3A_243] : memref<100001x128xf32, #tpu.memory_space<hbm>> -> memref<100001x128xf32, #tpu.memory_space<hbm>>
    tpu.enqueue_indirect_dma source(%dma_start3A_244 : memref<100001x128xf32, #tpu.memory_space<hbm>>) target(%dma_start3A_238 : memref<96x128xf32, #tpu.memory_space<vmem>>) offsets(%dma_start3A_241 : memref<96xi32, #tpu.memory_space<vmem>>) semaphore(%arg11 : memref<!tpu.dma_semaphore, #tpu.memory_space<semaphore_mem>>)
    %dma_wait3A_245 = arith.constant 96 : i32
    %dma_wait3A_246 = arith.constant 0 : i32
    %dma_wait3A_247 = tpu.memref_slice %arg10[%dma_wait3A_245, %dma_wait3A_246] : memref<672x128xf32, #tpu.memory_space<vmem>> -> memref<96x128xf32, #tpu.memory_space<vmem>>
    %dma_wait3A_248 = arith.constant 0 : i32
    %dma_wait3A_249 = tpu.memref_slice %arg6[%add3A_104, %dma_wait3A_248] : memref<21504x128xf32, #tpu.memory_space<hbm>> -> memref<96x128xf32, #tpu.memory_space<hbm>>
    %dma_wait3A_250 = arith.constant 0 : i32
    %dma_wait3A_251 = tpu.memref_slice %arg6[%add3A_104, %dma_wait3A_250] : memref<21504x128xf32, #tpu.memory_space<hbm>> -> memref<96x128xf32, #tpu.memory_space<hbm>>
    %dma_wait3A_252 = arith.constant 96 : i32
    %dma_wait3A_253 = arith.constant 0 : i32
    %dma_wait3A_254 = tpu.memref_slice %arg10[%dma_wait3A_252, %dma_wait3A_253] : memref<672x128xf32, #tpu.memory_space<vmem>> -> memref<96x128xf32, #tpu.memory_space<vmem>>
    tpu.wait_dma2 semaphore(%arg12 : memref<!tpu.dma_semaphore, #tpu.memory_space<semaphore_mem>>) src(%dma_wait3A_254 : memref<96x128xf32, #tpu.memory_space<vmem>>) dst(%dma_wait3A_251 : memref<96x128xf32, #tpu.memory_space<hbm>>)
    %dma_start3A_255 = arith.constant 1 : i32
    %dma_start3A_256 = arith.constant 96 : i32
    %dma_start3A_257 = arith.constant 0 : i32
    %dma_start3A_258 = tpu.memref_slice %arg10[%dma_start3A_256, %dma_start3A_257] : memref<672x128xf32, #tpu.memory_space<vmem>> -> memref<96x128xf32, #tpu.memory_space<vmem>>
    %dma_start3A_259 = arith.constant 0 : i32
    %dma_start3A_260 = tpu.memref_slice %arg9[%dma_start3A_255, %dma_start3A_259] : memref<7x96xi32, #tpu.memory_space<vmem>> -> memref<1x96xi32, #tpu.memory_space<vmem>>
    %dma_start3A_261 = tpu.memref_squeeze %dma_start3A_260 : memref<1x96xi32, #tpu.memory_space<vmem>> -> memref<96xi32, #tpu.memory_space<vmem>>
    %dma_start3A_262 = arith.constant 0 : i32
    %dma_start3A_263 = arith.constant 0 : i32
    %dma_start3A_264 = tpu.memref_slice %arg3[%dma_start3A_262, %dma_start3A_263] : memref<100001x128xf32, #tpu.memory_space<hbm>> -> memref<100001x128xf32, #tpu.memory_space<hbm>>
    tpu.enqueue_indirect_dma source(%dma_start3A_264 : memref<100001x128xf32, #tpu.memory_space<hbm>>) target(%dma_start3A_258 : memref<96x128xf32, #tpu.memory_space<vmem>>) offsets(%dma_start3A_261 : memref<96xi32, #tpu.memory_space<vmem>>) semaphore(%arg11 : memref<!tpu.dma_semaphore, #tpu.memory_space<semaphore_mem>>)
    %dma_wait3A_265 = arith.constant 192 : i32
    %dma_wait3A_266 = arith.constant 0 : i32
    %dma_wait3A_267 = tpu.memref_slice %arg10[%dma_wait3A_265, %dma_wait3A_266] : memref<672x128xf32, #tpu.memory_space<vmem>> -> memref<96x128xf32, #tpu.memory_space<vmem>>
    %dma_wait3A_268 = arith.constant 0 : i32
    %dma_wait3A_269 = tpu.memref_slice %arg6[%add3A_126, %dma_wait3A_268] : memref<21504x128xf32, #tpu.memory_space<hbm>> -> memref<96x128xf32, #tpu.memory_space<hbm>>
    %dma_wait3A_270 = arith.constant 0 : i32
    %dma_wait3A_271 = tpu.memref_slice %arg6[%add3A_126, %dma_wait3A_270] : memref<21504x128xf32, #tpu.memory_space<hbm>> -> memref<96x128xf32, #tpu.memory_space<hbm>>
    %dma_wait3A_272 = arith.constant 192 : i32
    %dma_wait3A_273 = arith.constant 0 : i32
    %dma_wait3A_274 = tpu.memref_slice %arg10[%dma_wait3A_272, %dma_wait3A_273] : memref<672x128xf32, #tpu.memory_space<vmem>> -> memref<96x128xf32, #tpu.memory_space<vmem>>
    tpu.wait_dma2 semaphore(%arg12 : memref<!tpu.dma_semaphore, #tpu.memory_space<semaphore_mem>>) src(%dma_wait3A_274 : memref<96x128xf32, #tpu.memory_space<vmem>>) dst(%dma_wait3A_271 : memref<96x128xf32, #tpu.memory_space<hbm>>)
    %dma_start3A_275 = arith.constant 2 : i32
    %dma_start3A_276 = arith.constant 192 : i32
    %dma_start3A_277 = arith.constant 0 : i32
    %dma_start3A_278 = tpu.memref_slice %arg10[%dma_start3A_276, %dma_start3A_277] : memref<672x128xf32, #tpu.memory_space<vmem>> -> memref<96x128xf32, #tpu.memory_space<vmem>>
    %dma_start3A_279 = arith.constant 0 : i32
    %dma_start3A_280 = tpu.memref_slice %arg9[%dma_start3A_275, %dma_start3A_279] : memref<7x96xi32, #tpu.memory_space<vmem>> -> memref<1x96xi32, #tpu.memory_space<vmem>>
    %dma_start3A_281 = tpu.memref_squeeze %dma_start3A_280 : memref<1x96xi32, #tpu.memory_space<vmem>> -> memref<96xi32, #tpu.memory_space<vmem>>
    %dma_start3A_282 = arith.constant 0 : i32
    %dma_start3A_283 = arith.constant 0 : i32
    %dma_start3A_284 = tpu.memref_slice %arg3[%dma_start3A_282, %dma_start3A_283] : memref<100001x128xf32, #tpu.memory_space<hbm>> -> memref<100001x128xf32, #tpu.memory_space<hbm>>
    tpu.enqueue_indirect_dma source(%dma_start3A_284 : memref<100001x128xf32, #tpu.memory_space<hbm>>) target(%dma_start3A_278 : memref<96x128xf32, #tpu.memory_space<vmem>>) offsets(%dma_start3A_281 : memref<96xi32, #tpu.memory_space<vmem>>) semaphore(%arg11 : memref<!tpu.dma_semaphore, #tpu.memory_space<semaphore_mem>>)
    %dma_wait3A_285 = arith.constant 288 : i32
    %dma_wait3A_286 = arith.constant 0 : i32
    %dma_wait3A_287 = tpu.memref_slice %arg10[%dma_wait3A_285, %dma_wait3A_286] : memref<672x128xf32, #tpu.memory_space<vmem>> -> memref<96x128xf32, #tpu.memory_space<vmem>>
    %dma_wait3A_288 = arith.constant 0 : i32
    %dma_wait3A_289 = tpu.memref_slice %arg6[%add3A_148, %dma_wait3A_288] : memref<21504x128xf32, #tpu.memory_space<hbm>> -> memref<96x128xf32, #tpu.memory_space<hbm>>
    %dma_wait3A_290 = arith.constant 0 : i32
    %dma_wait3A_291 = tpu.memref_slice %arg6[%add3A_148, %dma_wait3A_290] : memref<21504x128xf32, #tpu.memory_space<hbm>> -> memref<96x128xf32, #tpu.memory_space<hbm>>
    %dma_wait3A_292 = arith.constant 288 : i32
    %dma_wait3A_293 = arith.constant 0 : i32
    %dma_wait3A_294 = tpu.memref_slice %arg10[%dma_wait3A_292, %dma_wait3A_293] : memref<672x128xf32, #tpu.memory_space<vmem>> -> memref<96x128xf32, #tpu.memory_space<vmem>>
    tpu.wait_dma2 semaphore(%arg12 : memref<!tpu.dma_semaphore, #tpu.memory_space<semaphore_mem>>) src(%dma_wait3A_294 : memref<96x128xf32, #tpu.memory_space<vmem>>) dst(%dma_wait3A_291 : memref<96x128xf32, #tpu.memory_space<hbm>>)
    %dma_start3A_295 = arith.constant 3 : i32
    %dma_start3A_296 = arith.constant 288 : i32
    %dma_start3A_297 = arith.constant 0 : i32
    %dma_start3A_298 = tpu.memref_slice %arg10[%dma_start3A_296, %dma_start3A_297] : memref<672x128xf32, #tpu.memory_space<vmem>> -> memref<96x128xf32, #tpu.memory_space<vmem>>
    %dma_start3A_299 = arith.constant 0 : i32
    %dma_start3A_300 = tpu.memref_slice %arg9[%dma_start3A_295, %dma_start3A_299] : memref<7x96xi32, #tpu.memory_space<vmem>> -> memref<1x96xi32, #tpu.memory_space<vmem>>
    %dma_start3A_301 = tpu.memref_squeeze %dma_start3A_300 : memref<1x96xi32, #tpu.memory_space<vmem>> -> memref<96xi32, #tpu.memory_space<vmem>>
    %dma_start3A_302 = arith.constant 0 : i32
    %dma_start3A_303 = arith.constant 0 : i32
    %dma_start3A_304 = tpu.memref_slice %arg3[%dma_start3A_302, %dma_start3A_303] : memref<100001x128xf32, #tpu.memory_space<hbm>> -> memref<100001x128xf32, #tpu.memory_space<hbm>>
    tpu.enqueue_indirect_dma source(%dma_start3A_304 : memref<100001x128xf32, #tpu.memory_space<hbm>>) target(%dma_start3A_298 : memref<96x128xf32, #tpu.memory_space<vmem>>) offsets(%dma_start3A_301 : memref<96xi32, #tpu.memory_space<vmem>>) semaphore(%arg11 : memref<!tpu.dma_semaphore, #tpu.memory_space<semaphore_mem>>)
    %dma_wait3A_305 = arith.constant 384 : i32
    %dma_wait3A_306 = arith.constant 0 : i32
    %dma_wait3A_307 = tpu.memref_slice %arg10[%dma_wait3A_305, %dma_wait3A_306] : memref<672x128xf32, #tpu.memory_space<vmem>> -> memref<96x128xf32, #tpu.memory_space<vmem>>
    %dma_wait3A_308 = arith.constant 0 : i32
    %dma_wait3A_309 = tpu.memref_slice %arg6[%add3A_170, %dma_wait3A_308] : memref<21504x128xf32, #tpu.memory_space<hbm>> -> memref<96x128xf32, #tpu.memory_space<hbm>>
    %dma_wait3A_310 = arith.constant 0 : i32
    %dma_wait3A_311 = tpu.memref_slice %arg6[%add3A_170, %dma_wait3A_310] : memref<21504x128xf32, #tpu.memory_space<hbm>> -> memref<96x128xf32, #tpu.memory_space<hbm>>
    %dma_wait3A_312 = arith.constant 384 : i32
    %dma_wait3A_313 = arith.constant 0 : i32
    %dma_wait3A_314 = tpu.memref_slice %arg10[%dma_wait3A_312, %dma_wait3A_313] : memref<672x128xf32, #tpu.memory_space<vmem>> -> memref<96x128xf32, #tpu.memory_space<vmem>>
    tpu.wait_dma2 semaphore(%arg12 : memref<!tpu.dma_semaphore, #tpu.memory_space<semaphore_mem>>) src(%dma_wait3A_314 : memref<96x128xf32, #tpu.memory_space<vmem>>) dst(%dma_wait3A_311 : memref<96x128xf32, #tpu.memory_space<hbm>>)
    %dma_start3A_315 = arith.constant 4 : i32
    %dma_start3A_316 = arith.constant 384 : i32
    %dma_start3A_317 = arith.constant 0 : i32
    %dma_start3A_318 = tpu.memref_slice %arg10[%dma_start3A_316, %dma_start3A_317] : memref<672x128xf32, #tpu.memory_space<vmem>> -> memref<96x128xf32, #tpu.memory_space<vmem>>
    %dma_start3A_319 = arith.constant 0 : i32
    %dma_start3A_320 = tpu.memref_slice %arg9[%dma_start3A_315, %dma_start3A_319] : memref<7x96xi32, #tpu.memory_space<vmem>> -> memref<1x96xi32, #tpu.memory_space<vmem>>
    %dma_start3A_321 = tpu.memref_squeeze %dma_start3A_320 : memref<1x96xi32, #tpu.memory_space<vmem>> -> memref<96xi32, #tpu.memory_space<vmem>>
    %dma_start3A_322 = arith.constant 0 : i32
    %dma_start3A_323 = arith.constant 0 : i32
    %dma_start3A_324 = tpu.memref_slice %arg3[%dma_start3A_322, %dma_start3A_323] : memref<100001x128xf32, #tpu.memory_space<hbm>> -> memref<100001x128xf32, #tpu.memory_space<hbm>>
    tpu.enqueue_indirect_dma source(%dma_start3A_324 : memref<100001x128xf32, #tpu.memory_space<hbm>>) target(%dma_start3A_318 : memref<96x128xf32, #tpu.memory_space<vmem>>) offsets(%dma_start3A_321 : memref<96xi32, #tpu.memory_space<vmem>>) semaphore(%arg11 : memref<!tpu.dma_semaphore, #tpu.memory_space<semaphore_mem>>)
    %dma_wait3A_325 = arith.constant 480 : i32
    %dma_wait3A_326 = arith.constant 0 : i32
    %dma_wait3A_327 = tpu.memref_slice %arg10[%dma_wait3A_325, %dma_wait3A_326] : memref<672x128xf32, #tpu.memory_space<vmem>> -> memref<96x128xf32, #tpu.memory_space<vmem>>
    %dma_wait3A_328 = arith.constant 0 : i32
    %dma_wait3A_329 = tpu.memref_slice %arg6[%add3A_192, %dma_wait3A_328] : memref<21504x128xf32, #tpu.memory_space<hbm>> -> memref<96x128xf32, #tpu.memory_space<hbm>>
    %dma_wait3A_330 = arith.constant 0 : i32
    %dma_wait3A_331 = tpu.memref_slice %arg6[%add3A_192, %dma_wait3A_330] : memref<21504x128xf32, #tpu.memory_space<hbm>> -> memref<96x128xf32, #tpu.memory_space<hbm>>
    %dma_wait3A_332 = arith.constant 480 : i32
    %dma_wait3A_333 = arith.constant 0 : i32
    %dma_wait3A_334 = tpu.memref_slice %arg10[%dma_wait3A_332, %dma_wait3A_333] : memref<672x128xf32, #tpu.memory_space<vmem>> -> memref<96x128xf32, #tpu.memory_space<vmem>>
    tpu.wait_dma2 semaphore(%arg12 : memref<!tpu.dma_semaphore, #tpu.memory_space<semaphore_mem>>) src(%dma_wait3A_334 : memref<96x128xf32, #tpu.memory_space<vmem>>) dst(%dma_wait3A_331 : memref<96x128xf32, #tpu.memory_space<hbm>>)
    %dma_start3A_335 = arith.constant 5 : i32
    %dma_start3A_336 = arith.constant 480 : i32
    %dma_start3A_337 = arith.constant 0 : i32
    %dma_start3A_338 = tpu.memref_slice %arg10[%dma_start3A_336, %dma_start3A_337] : memref<672x128xf32, #tpu.memory_space<vmem>> -> memref<96x128xf32, #tpu.memory_space<vmem>>
    %dma_start3A_339 = arith.constant 0 : i32
    %dma_start3A_340 = tpu.memref_slice %arg9[%dma_start3A_335, %dma_start3A_339] : memref<7x96xi32, #tpu.memory_space<vmem>> -> memref<1x96xi32, #tpu.memory_space<vmem>>
    %dma_start3A_341 = tpu.memref_squeeze %dma_start3A_340 : memref<1x96xi32, #tpu.memory_space<vmem>> -> memref<96xi32, #tpu.memory_space<vmem>>
    %dma_start3A_342 = arith.constant 0 : i32
    %dma_start3A_343 = arith.constant 0 : i32
    %dma_start3A_344 = tpu.memref_slice %arg3[%dma_start3A_342, %dma_start3A_343] : memref<100001x128xf32, #tpu.memory_space<hbm>> -> memref<100001x128xf32, #tpu.memory_space<hbm>>
    tpu.enqueue_indirect_dma source(%dma_start3A_344 : memref<100001x128xf32, #tpu.memory_space<hbm>>) target(%dma_start3A_338 : memref<96x128xf32, #tpu.memory_space<vmem>>) offsets(%dma_start3A_341 : memref<96xi32, #tpu.memory_space<vmem>>) semaphore(%arg11 : memref<!tpu.dma_semaphore, #tpu.memory_space<semaphore_mem>>)
    %dma_wait3A_345 = arith.constant 576 : i32
    %dma_wait3A_346 = arith.constant 0 : i32
    %dma_wait3A_347 = tpu.memref_slice %arg10[%dma_wait3A_345, %dma_wait3A_346] : memref<672x128xf32, #tpu.memory_space<vmem>> -> memref<96x128xf32, #tpu.memory_space<vmem>>
    %dma_wait3A_348 = arith.constant 0 : i32
    %dma_wait3A_349 = tpu.memref_slice %arg6[%add3A_214, %dma_wait3A_348] : memref<21504x128xf32, #tpu.memory_space<hbm>> -> memref<96x128xf32, #tpu.memory_space<hbm>>
    %dma_wait3A_350 = arith.constant 0 : i32
    %dma_wait3A_351 = tpu.memref_slice %arg6[%add3A_214, %dma_wait3A_350] : memref<21504x128xf32, #tpu.memory_space<hbm>> -> memref<96x128xf32, #tpu.memory_space<hbm>>
    %dma_wait3A_352 = arith.constant 576 : i32
    %dma_wait3A_353 = arith.constant 0 : i32
    %dma_wait3A_354 = tpu.memref_slice %arg10[%dma_wait3A_352, %dma_wait3A_353] : memref<672x128xf32, #tpu.memory_space<vmem>> -> memref<96x128xf32, #tpu.memory_space<vmem>>
    tpu.wait_dma2 semaphore(%arg12 : memref<!tpu.dma_semaphore, #tpu.memory_space<semaphore_mem>>) src(%dma_wait3A_354 : memref<96x128xf32, #tpu.memory_space<vmem>>) dst(%dma_wait3A_351 : memref<96x128xf32, #tpu.memory_space<hbm>>)
    %dma_start3A_355 = arith.constant 6 : i32
    %dma_start3A_356 = arith.constant 576 : i32
    %dma_start3A_357 = arith.constant 0 : i32
    %dma_start3A_358 = tpu.memref_slice %arg10[%dma_start3A_356, %dma_start3A_357] : memref<672x128xf32, #tpu.memory_space<vmem>> -> memref<96x128xf32, #tpu.memory_space<vmem>>
    %dma_start3A_359 = arith.constant 0 : i32
    %dma_start3A_360 = tpu.memref_slice %arg9[%dma_start3A_355, %dma_start3A_359] : memref<7x96xi32, #tpu.memory_space<vmem>> -> memref<1x96xi32, #tpu.memory_space<vmem>>
    %dma_start3A_361 = tpu.memref_squeeze %dma_start3A_360 : memref<1x96xi32, #tpu.memory_space<vmem>> -> memref<96xi32, #tpu.memory_space<vmem>>
    %dma_start3A_362 = arith.constant 0 : i32
    %dma_start3A_363 = arith.constant 0 : i32
    %dma_start3A_364 = tpu.memref_slice %arg3[%dma_start3A_362, %dma_start3A_363] : memref<100001x128xf32, #tpu.memory_space<hbm>> -> memref<100001x128xf32, #tpu.memory_space<hbm>>
    tpu.enqueue_indirect_dma source(%dma_start3A_364 : memref<100001x128xf32, #tpu.memory_space<hbm>>) target(%dma_start3A_358 : memref<96x128xf32, #tpu.memory_space<vmem>>) offsets(%dma_start3A_361 : memref<96xi32, #tpu.memory_space<vmem>>) semaphore(%arg11 : memref<!tpu.dma_semaphore, #tpu.memory_space<semaphore_mem>>)
    %dma_wait3A_365 = arith.constant 0 : i32
    %dma_wait3A_366 = arith.constant 0 : i32
    %dma_wait3A_367 = arith.constant 0 : i32
    %dma_wait3A_368 = tpu.memref_slice %arg10[%dma_wait3A_366, %dma_wait3A_367] : memref<672x128xf32, #tpu.memory_space<vmem>> -> memref<96x128xf32, #tpu.memory_space<vmem>>
    %dma_wait3A_369 = arith.constant 0 : i32
    %dma_wait3A_370 = tpu.memref_slice %arg9[%dma_wait3A_365, %dma_wait3A_369] : memref<7x96xi32, #tpu.memory_space<vmem>> -> memref<1x96xi32, #tpu.memory_space<vmem>>
    %dma_wait3A_371 = tpu.memref_squeeze %dma_wait3A_370 : memref<1x96xi32, #tpu.memory_space<vmem>> -> memref<96xi32, #tpu.memory_space<vmem>>
    %dma_wait3A_372 = arith.constant 0 : i32
    %dma_wait3A_373 = arith.constant 0 : i32
    %dma_wait3A_374 = tpu.memref_slice %arg3[%dma_wait3A_372, %dma_wait3A_373] : memref<100001x128xf32, #tpu.memory_space<hbm>> -> memref<100001x128xf32, #tpu.memory_space<hbm>>
    tpu.wait_indirect_dma semaphore(%arg11 : memref<!tpu.dma_semaphore, #tpu.memory_space<semaphore_mem>>) src(%dma_wait3A_374 : memref<100001x128xf32, #tpu.memory_space<hbm>>) dst(%dma_wait3A_368 : memref<96x128xf32, #tpu.memory_space<vmem>>)
    %add3A_375 = arith.constant 0 : i32
    %add3A_376 = arith.addi %mul3A_2, %add3A_375 : i32
    %dma_start3A_377 = arith.constant 0 : i32
    %dma_start3A_378 = arith.constant 0 : i32
    %dma_start3A_379 = tpu.memref_slice %arg10[%dma_start3A_377, %dma_start3A_378] : memref<672x128xf32, #tpu.memory_space<vmem>> -> memref<96x128xf32, #tpu.memory_space<vmem>>
    %dma_start3A_380 = arith.constant 0 : i32
    %dma_start3A_381 = tpu.memref_slice %arg7[%add3A_376, %dma_start3A_380] : memref<21504x128xf32, #tpu.memory_space<hbm>> -> memref<96x128xf32, #tpu.memory_space<hbm>>
    %dma_start3A_382 = arith.constant 0 : i32
    %dma_start3A_383 = tpu.memref_slice %arg7[%add3A_376, %dma_start3A_382] : memref<21504x128xf32, #tpu.memory_space<hbm>> -> memref<96x128xf32, #tpu.memory_space<hbm>>
    %dma_start3A_384 = arith.constant 0 : i32
    %dma_start3A_385 = arith.constant 0 : i32
    %dma_start3A_386 = tpu.memref_slice %arg10[%dma_start3A_384, %dma_start3A_385] : memref<672x128xf32, #tpu.memory_space<vmem>> -> memref<96x128xf32, #tpu.memory_space<vmem>>
    tpu.enqueue_dma source(%dma_start3A_386 : memref<96x128xf32, #tpu.memory_space<vmem>>) target(%dma_start3A_383 : memref<96x128xf32, #tpu.memory_space<hbm>>) target_semaphore(%arg12 : memref<!tpu.dma_semaphore, #tpu.memory_space<semaphore_mem>>)
    %dma_wait3A_387 = arith.constant 1 : i32
    %dma_wait3A_388 = arith.constant 96 : i32
    %dma_wait3A_389 = arith.constant 0 : i32
    %dma_wait3A_390 = tpu.memref_slice %arg10[%dma_wait3A_388, %dma_wait3A_389] : memref<672x128xf32, #tpu.memory_space<vmem>> -> memref<96x128xf32, #tpu.memory_space<vmem>>
    %dma_wait3A_391 = arith.constant 0 : i32
    %dma_wait3A_392 = tpu.memref_slice %arg9[%dma_wait3A_387, %dma_wait3A_391] : memref<7x96xi32, #tpu.memory_space<vmem>> -> memref<1x96xi32, #tpu.memory_space<vmem>>
    %dma_wait3A_393 = tpu.memref_squeeze %dma_wait3A_392 : memref<1x96xi32, #tpu.memory_space<vmem>> -> memref<96xi32, #tpu.memory_space<vmem>>
    %dma_wait3A_394 = arith.constant 0 : i32
    %dma_wait3A_395 = arith.constant 0 : i32
    %dma_wait3A_396 = tpu.memref_slice %arg3[%dma_wait3A_394, %dma_wait3A_395] : memref<100001x128xf32, #tpu.memory_space<hbm>> -> memref<100001x128xf32, #tpu.memory_space<hbm>>
    tpu.wait_indirect_dma semaphore(%arg11 : memref<!tpu.dma_semaphore, #tpu.memory_space<semaphore_mem>>) src(%dma_wait3A_396 : memref<100001x128xf32, #tpu.memory_space<hbm>>) dst(%dma_wait3A_390 : memref<96x128xf32, #tpu.memory_space<vmem>>)
    %add3A_397 = arith.constant 96 : i32
    %add3A_398 = arith.addi %mul3A_2, %add3A_397 : i32
    %dma_start3A_399 = arith.constant 96 : i32
    %dma_start3A_400 = arith.constant 0 : i32
    %dma_start3A_401 = tpu.memref_slice %arg10[%dma_start3A_399, %dma_start3A_400] : memref<672x128xf32, #tpu.memory_space<vmem>> -> memref<96x128xf32, #tpu.memory_space<vmem>>
    %dma_start3A_402 = arith.constant 0 : i32
    %dma_start3A_403 = tpu.memref_slice %arg7[%add3A_398, %dma_start3A_402] : memref<21504x128xf32, #tpu.memory_space<hbm>> -> memref<96x128xf32, #tpu.memory_space<hbm>>
    %dma_start3A_404 = arith.constant 0 : i32
    %dma_start3A_405 = tpu.memref_slice %arg7[%add3A_398, %dma_start3A_404] : memref<21504x128xf32, #tpu.memory_space<hbm>> -> memref<96x128xf32, #tpu.memory_space<hbm>>
    %dma_start3A_406 = arith.constant 96 : i32
    %dma_start3A_407 = arith.constant 0 : i32
    %dma_start3A_408 = tpu.memref_slice %arg10[%dma_start3A_406, %dma_start3A_407] : memref<672x128xf32, #tpu.memory_space<vmem>> -> memref<96x128xf32, #tpu.memory_space<vmem>>
    tpu.enqueue_dma source(%dma_start3A_408 : memref<96x128xf32, #tpu.memory_space<vmem>>) target(%dma_start3A_405 : memref<96x128xf32, #tpu.memory_space<hbm>>) target_semaphore(%arg12 : memref<!tpu.dma_semaphore, #tpu.memory_space<semaphore_mem>>)
    %dma_wait3A_409 = arith.constant 2 : i32
    %dma_wait3A_410 = arith.constant 192 : i32
    %dma_wait3A_411 = arith.constant 0 : i32
    %dma_wait3A_412 = tpu.memref_slice %arg10[%dma_wait3A_410, %dma_wait3A_411] : memref<672x128xf32, #tpu.memory_space<vmem>> -> memref<96x128xf32, #tpu.memory_space<vmem>>
    %dma_wait3A_413 = arith.constant 0 : i32
    %dma_wait3A_414 = tpu.memref_slice %arg9[%dma_wait3A_409, %dma_wait3A_413] : memref<7x96xi32, #tpu.memory_space<vmem>> -> memref<1x96xi32, #tpu.memory_space<vmem>>
    %dma_wait3A_415 = tpu.memref_squeeze %dma_wait3A_414 : memref<1x96xi32, #tpu.memory_space<vmem>> -> memref<96xi32, #tpu.memory_space<vmem>>
    %dma_wait3A_416 = arith.constant 0 : i32
    %dma_wait3A_417 = arith.constant 0 : i32
    %dma_wait3A_418 = tpu.memref_slice %arg3[%dma_wait3A_416, %dma_wait3A_417] : memref<100001x128xf32, #tpu.memory_space<hbm>> -> memref<100001x128xf32, #tpu.memory_space<hbm>>
    tpu.wait_indirect_dma semaphore(%arg11 : memref<!tpu.dma_semaphore, #tpu.memory_space<semaphore_mem>>) src(%dma_wait3A_418 : memref<100001x128xf32, #tpu.memory_space<hbm>>) dst(%dma_wait3A_412 : memref<96x128xf32, #tpu.memory_space<vmem>>)
    %add3A_419 = arith.constant 192 : i32
    %add3A_420 = arith.addi %mul3A_2, %add3A_419 : i32
    %dma_start3A_421 = arith.constant 192 : i32
    %dma_start3A_422 = arith.constant 0 : i32
    %dma_start3A_423 = tpu.memref_slice %arg10[%dma_start3A_421, %dma_start3A_422] : memref<672x128xf32, #tpu.memory_space<vmem>> -> memref<96x128xf32, #tpu.memory_space<vmem>>
    %dma_start3A_424 = arith.constant 0 : i32
    %dma_start3A_425 = tpu.memref_slice %arg7[%add3A_420, %dma_start3A_424] : memref<21504x128xf32, #tpu.memory_space<hbm>> -> memref<96x128xf32, #tpu.memory_space<hbm>>
    %dma_start3A_426 = arith.constant 0 : i32
    %dma_start3A_427 = tpu.memref_slice %arg7[%add3A_420, %dma_start3A_426] : memref<21504x128xf32, #tpu.memory_space<hbm>> -> memref<96x128xf32, #tpu.memory_space<hbm>>
    %dma_start3A_428 = arith.constant 192 : i32
    %dma_start3A_429 = arith.constant 0 : i32
    %dma_start3A_430 = tpu.memref_slice %arg10[%dma_start3A_428, %dma_start3A_429] : memref<672x128xf32, #tpu.memory_space<vmem>> -> memref<96x128xf32, #tpu.memory_space<vmem>>
    tpu.enqueue_dma source(%dma_start3A_430 : memref<96x128xf32, #tpu.memory_space<vmem>>) target(%dma_start3A_427 : memref<96x128xf32, #tpu.memory_space<hbm>>) target_semaphore(%arg12 : memref<!tpu.dma_semaphore, #tpu.memory_space<semaphore_mem>>)
    %dma_wait3A_431 = arith.constant 3 : i32
    %dma_wait3A_432 = arith.constant 288 : i32
    %dma_wait3A_433 = arith.constant 0 : i32
    %dma_wait3A_434 = tpu.memref_slice %arg10[%dma_wait3A_432, %dma_wait3A_433] : memref<672x128xf32, #tpu.memory_space<vmem>> -> memref<96x128xf32, #tpu.memory_space<vmem>>
    %dma_wait3A_435 = arith.constant 0 : i32
    %dma_wait3A_436 = tpu.memref_slice %arg9[%dma_wait3A_431, %dma_wait3A_435] : memref<7x96xi32, #tpu.memory_space<vmem>> -> memref<1x96xi32, #tpu.memory_space<vmem>>
    %dma_wait3A_437 = tpu.memref_squeeze %dma_wait3A_436 : memref<1x96xi32, #tpu.memory_space<vmem>> -> memref<96xi32, #tpu.memory_space<vmem>>
    %dma_wait3A_438 = arith.constant 0 : i32
    %dma_wait3A_439 = arith.constant 0 : i32
    %dma_wait3A_440 = tpu.memref_slice %arg3[%dma_wait3A_438, %dma_wait3A_439] : memref<100001x128xf32, #tpu.memory_space<hbm>> -> memref<100001x128xf32, #tpu.memory_space<hbm>>
    tpu.wait_indirect_dma semaphore(%arg11 : memref<!tpu.dma_semaphore, #tpu.memory_space<semaphore_mem>>) src(%dma_wait3A_440 : memref<100001x128xf32, #tpu.memory_space<hbm>>) dst(%dma_wait3A_434 : memref<96x128xf32, #tpu.memory_space<vmem>>)
    %add3A_441 = arith.constant 288 : i32
    %add3A_442 = arith.addi %mul3A_2, %add3A_441 : i32
    %dma_start3A_443 = arith.constant 288 : i32
    %dma_start3A_444 = arith.constant 0 : i32
    %dma_start3A_445 = tpu.memref_slice %arg10[%dma_start3A_443, %dma_start3A_444] : memref<672x128xf32, #tpu.memory_space<vmem>> -> memref<96x128xf32, #tpu.memory_space<vmem>>
    %dma_start3A_446 = arith.constant 0 : i32
    %dma_start3A_447 = tpu.memref_slice %arg7[%add3A_442, %dma_start3A_446] : memref<21504x128xf32, #tpu.memory_space<hbm>> -> memref<96x128xf32, #tpu.memory_space<hbm>>
    %dma_start3A_448 = arith.constant 0 : i32
    %dma_start3A_449 = tpu.memref_slice %arg7[%add3A_442, %dma_start3A_448] : memref<21504x128xf32, #tpu.memory_space<hbm>> -> memref<96x128xf32, #tpu.memory_space<hbm>>
    %dma_start3A_450 = arith.constant 288 : i32
    %dma_start3A_451 = arith.constant 0 : i32
    %dma_start3A_452 = tpu.memref_slice %arg10[%dma_start3A_450, %dma_start3A_451] : memref<672x128xf32, #tpu.memory_space<vmem>> -> memref<96x128xf32, #tpu.memory_space<vmem>>
    tpu.enqueue_dma source(%dma_start3A_452 : memref<96x128xf32, #tpu.memory_space<vmem>>) target(%dma_start3A_449 : memref<96x128xf32, #tpu.memory_space<hbm>>) target_semaphore(%arg12 : memref<!tpu.dma_semaphore, #tpu.memory_space<semaphore_mem>>)
    %dma_wait3A_453 = arith.constant 4 : i32
    %dma_wait3A_454 = arith.constant 384 : i32
    %dma_wait3A_455 = arith.constant 0 : i32
    %dma_wait3A_456 = tpu.memref_slice %arg10[%dma_wait3A_454, %dma_wait3A_455] : memref<672x128xf32, #tpu.memory_space<vmem>> -> memref<96x128xf32, #tpu.memory_space<vmem>>
    %dma_wait3A_457 = arith.constant 0 : i32
    %dma_wait3A_458 = tpu.memref_slice %arg9[%dma_wait3A_453, %dma_wait3A_457] : memref<7x96xi32, #tpu.memory_space<vmem>> -> memref<1x96xi32, #tpu.memory_space<vmem>>
    %dma_wait3A_459 = tpu.memref_squeeze %dma_wait3A_458 : memref<1x96xi32, #tpu.memory_space<vmem>> -> memref<96xi32, #tpu.memory_space<vmem>>
    %dma_wait3A_460 = arith.constant 0 : i32
    %dma_wait3A_461 = arith.constant 0 : i32
    %dma_wait3A_462 = tpu.memref_slice %arg3[%dma_wait3A_460, %dma_wait3A_461] : memref<100001x128xf32, #tpu.memory_space<hbm>> -> memref<100001x128xf32, #tpu.memory_space<hbm>>
    tpu.wait_indirect_dma semaphore(%arg11 : memref<!tpu.dma_semaphore, #tpu.memory_space<semaphore_mem>>) src(%dma_wait3A_462 : memref<100001x128xf32, #tpu.memory_space<hbm>>) dst(%dma_wait3A_456 : memref<96x128xf32, #tpu.memory_space<vmem>>)
    %add3A_463 = arith.constant 384 : i32
    %add3A_464 = arith.addi %mul3A_2, %add3A_463 : i32
    %dma_start3A_465 = arith.constant 384 : i32
    %dma_start3A_466 = arith.constant 0 : i32
    %dma_start3A_467 = tpu.memref_slice %arg10[%dma_start3A_465, %dma_start3A_466] : memref<672x128xf32, #tpu.memory_space<vmem>> -> memref<96x128xf32, #tpu.memory_space<vmem>>
    %dma_start3A_468 = arith.constant 0 : i32
    %dma_start3A_469 = tpu.memref_slice %arg7[%add3A_464, %dma_start3A_468] : memref<21504x128xf32, #tpu.memory_space<hbm>> -> memref<96x128xf32, #tpu.memory_space<hbm>>
    %dma_start3A_470 = arith.constant 0 : i32
    %dma_start3A_471 = tpu.memref_slice %arg7[%add3A_464, %dma_start3A_470] : memref<21504x128xf32, #tpu.memory_space<hbm>> -> memref<96x128xf32, #tpu.memory_space<hbm>>
    %dma_start3A_472 = arith.constant 384 : i32
    %dma_start3A_473 = arith.constant 0 : i32
    %dma_start3A_474 = tpu.memref_slice %arg10[%dma_start3A_472, %dma_start3A_473] : memref<672x128xf32, #tpu.memory_space<vmem>> -> memref<96x128xf32, #tpu.memory_space<vmem>>
    tpu.enqueue_dma source(%dma_start3A_474 : memref<96x128xf32, #tpu.memory_space<vmem>>) target(%dma_start3A_471 : memref<96x128xf32, #tpu.memory_space<hbm>>) target_semaphore(%arg12 : memref<!tpu.dma_semaphore, #tpu.memory_space<semaphore_mem>>)
    %dma_wait3A_475 = arith.constant 5 : i32
    %dma_wait3A_476 = arith.constant 480 : i32
    %dma_wait3A_477 = arith.constant 0 : i32
    %dma_wait3A_478 = tpu.memref_slice %arg10[%dma_wait3A_476, %dma_wait3A_477] : memref<672x128xf32, #tpu.memory_space<vmem>> -> memref<96x128xf32, #tpu.memory_space<vmem>>
    %dma_wait3A_479 = arith.constant 0 : i32
    %dma_wait3A_480 = tpu.memref_slice %arg9[%dma_wait3A_475, %dma_wait3A_479] : memref<7x96xi32, #tpu.memory_space<vmem>> -> memref<1x96xi32, #tpu.memory_space<vmem>>
    %dma_wait3A_481 = tpu.memref_squeeze %dma_wait3A_480 : memref<1x96xi32, #tpu.memory_space<vmem>> -> memref<96xi32, #tpu.memory_space<vmem>>
    %dma_wait3A_482 = arith.constant 0 : i32
    %dma_wait3A_483 = arith.constant 0 : i32
    %dma_wait3A_484 = tpu.memref_slice %arg3[%dma_wait3A_482, %dma_wait3A_483] : memref<100001x128xf32, #tpu.memory_space<hbm>> -> memref<100001x128xf32, #tpu.memory_space<hbm>>
    tpu.wait_indirect_dma semaphore(%arg11 : memref<!tpu.dma_semaphore, #tpu.memory_space<semaphore_mem>>) src(%dma_wait3A_484 : memref<100001x128xf32, #tpu.memory_space<hbm>>) dst(%dma_wait3A_478 : memref<96x128xf32, #tpu.memory_space<vmem>>)
    %add3A_485 = arith.constant 480 : i32
    %add3A_486 = arith.addi %mul3A_2, %add3A_485 : i32
    %dma_start3A_487 = arith.constant 480 : i32
    %dma_start3A_488 = arith.constant 0 : i32
    %dma_start3A_489 = tpu.memref_slice %arg10[%dma_start3A_487, %dma_start3A_488] : memref<672x128xf32, #tpu.memory_space<vmem>> -> memref<96x128xf32, #tpu.memory_space<vmem>>
    %dma_start3A_490 = arith.constant 0 : i32
    %dma_start3A_491 = tpu.memref_slice %arg7[%add3A_486, %dma_start3A_490] : memref<21504x128xf32, #tpu.memory_space<hbm>> -> memref<96x128xf32, #tpu.memory_space<hbm>>
    %dma_start3A_492 = arith.constant 0 : i32
    %dma_start3A_493 = tpu.memref_slice %arg7[%add3A_486, %dma_start3A_492] : memref<21504x128xf32, #tpu.memory_space<hbm>> -> memref<96x128xf32, #tpu.memory_space<hbm>>
    %dma_start3A_494 = arith.constant 480 : i32
    %dma_start3A_495 = arith.constant 0 : i32
    %dma_start3A_496 = tpu.memref_slice %arg10[%dma_start3A_494, %dma_start3A_495] : memref<672x128xf32, #tpu.memory_space<vmem>> -> memref<96x128xf32, #tpu.memory_space<vmem>>
    tpu.enqueue_dma source(%dma_start3A_496 : memref<96x128xf32, #tpu.memory_space<vmem>>) target(%dma_start3A_493 : memref<96x128xf32, #tpu.memory_space<hbm>>) target_semaphore(%arg12 : memref<!tpu.dma_semaphore, #tpu.memory_space<semaphore_mem>>)
    %dma_wait3A_497 = arith.constant 6 : i32
    %dma_wait3A_498 = arith.constant 576 : i32
    %dma_wait3A_499 = arith.constant 0 : i32
    %dma_wait3A_500 = tpu.memref_slice %arg10[%dma_wait3A_498, %dma_wait3A_499] : memref<672x128xf32, #tpu.memory_space<vmem>> -> memref<96x128xf32, #tpu.memory_space<vmem>>
    %dma_wait3A_501 = arith.constant 0 : i32
    %dma_wait3A_502 = tpu.memref_slice %arg9[%dma_wait3A_497, %dma_wait3A_501] : memref<7x96xi32, #tpu.memory_space<vmem>> -> memref<1x96xi32, #tpu.memory_space<vmem>>
    %dma_wait3A_503 = tpu.memref_squeeze %dma_wait3A_502 : memref<1x96xi32, #tpu.memory_space<vmem>> -> memref<96xi32, #tpu.memory_space<vmem>>
    %dma_wait3A_504 = arith.constant 0 : i32
    %dma_wait3A_505 = arith.constant 0 : i32
    %dma_wait3A_506 = tpu.memref_slice %arg3[%dma_wait3A_504, %dma_wait3A_505] : memref<100001x128xf32, #tpu.memory_space<hbm>> -> memref<100001x128xf32, #tpu.memory_space<hbm>>
    tpu.wait_indirect_dma semaphore(%arg11 : memref<!tpu.dma_semaphore, #tpu.memory_space<semaphore_mem>>) src(%dma_wait3A_506 : memref<100001x128xf32, #tpu.memory_space<hbm>>) dst(%dma_wait3A_500 : memref<96x128xf32, #tpu.memory_space<vmem>>)
    %add3A_507 = arith.constant 576 : i32
    %add3A_508 = arith.addi %mul3A_2, %add3A_507 : i32
    %dma_start3A_509 = arith.constant 576 : i32
    %dma_start3A_510 = arith.constant 0 : i32
    %dma_start3A_511 = tpu.memref_slice %arg10[%dma_start3A_509, %dma_start3A_510] : memref<672x128xf32, #tpu.memory_space<vmem>> -> memref<96x128xf32, #tpu.memory_space<vmem>>
    %dma_start3A_512 = arith.constant 0 : i32
    %dma_start3A_513 = tpu.memref_slice %arg7[%add3A_508, %dma_start3A_512] : memref<21504x128xf32, #tpu.memory_space<hbm>> -> memref<96x128xf32, #tpu.memory_space<hbm>>
    %dma_start3A_514 = arith.constant 0 : i32
    %dma_start3A_515 = tpu.memref_slice %arg7[%add3A_508, %dma_start3A_514] : memref<21504x128xf32, #tpu.memory_space<hbm>> -> memref<96x128xf32, #tpu.memory_space<hbm>>
    %dma_start3A_516 = arith.constant 576 : i32
    %dma_start3A_517 = arith.constant 0 : i32
    %dma_start3A_518 = tpu.memref_slice %arg10[%dma_start3A_516, %dma_start3A_517] : memref<672x128xf32, #tpu.memory_space<vmem>> -> memref<96x128xf32, #tpu.memory_space<vmem>>
    tpu.enqueue_dma source(%dma_start3A_518 : memref<96x128xf32, #tpu.memory_space<vmem>>) target(%dma_start3A_515 : memref<96x128xf32, #tpu.memory_space<hbm>>) target_semaphore(%arg12 : memref<!tpu.dma_semaphore, #tpu.memory_space<semaphore_mem>>)
    %dma_wait3A_519 = arith.constant 0 : i32
    %dma_wait3A_520 = arith.constant 0 : i32
    %dma_wait3A_521 = tpu.memref_slice %arg10[%dma_wait3A_519, %dma_wait3A_520] : memref<672x128xf32, #tpu.memory_space<vmem>> -> memref<96x128xf32, #tpu.memory_space<vmem>>
    %dma_wait3A_522 = arith.constant 0 : i32
    %dma_wait3A_523 = tpu.memref_slice %arg7[%add3A_376, %dma_wait3A_522] : memref<21504x128xf32, #tpu.memory_space<hbm>> -> memref<96x128xf32, #tpu.memory_space<hbm>>
    %dma_wait3A_524 = arith.constant 0 : i32
    %dma_wait3A_525 = tpu.memref_slice %arg7[%add3A_376, %dma_wait3A_524] : memref<21504x128xf32, #tpu.memory_space<hbm>> -> memref<96x128xf32, #tpu.memory_space<hbm>>
    %dma_wait3A_526 = arith.constant 0 : i32
    %dma_wait3A_527 = arith.constant 0 : i32
    %dma_wait3A_528 = tpu.memref_slice %arg10[%dma_wait3A_526, %dma_wait3A_527] : memref<672x128xf32, #tpu.memory_space<vmem>> -> memref<96x128xf32, #tpu.memory_space<vmem>>
    tpu.wait_dma2 semaphore(%arg12 : memref<!tpu.dma_semaphore, #tpu.memory_space<semaphore_mem>>) src(%dma_wait3A_528 : memref<96x128xf32, #tpu.memory_space<vmem>>) dst(%dma_wait3A_525 : memref<96x128xf32, #tpu.memory_space<hbm>>)
    %dma_wait3A_529 = arith.constant 96 : i32
    %dma_wait3A_530 = arith.constant 0 : i32
    %dma_wait3A_531 = tpu.memref_slice %arg10[%dma_wait3A_529, %dma_wait3A_530] : memref<672x128xf32, #tpu.memory_space<vmem>> -> memref<96x128xf32, #tpu.memory_space<vmem>>
    %dma_wait3A_532 = arith.constant 0 : i32
    %dma_wait3A_533 = tpu.memref_slice %arg7[%add3A_398, %dma_wait3A_532] : memref<21504x128xf32, #tpu.memory_space<hbm>> -> memref<96x128xf32, #tpu.memory_space<hbm>>
    %dma_wait3A_534 = arith.constant 0 : i32
    %dma_wait3A_535 = tpu.memref_slice %arg7[%add3A_398, %dma_wait3A_534] : memref<21504x128xf32, #tpu.memory_space<hbm>> -> memref<96x128xf32, #tpu.memory_space<hbm>>
    %dma_wait3A_536 = arith.constant 96 : i32
    %dma_wait3A_537 = arith.constant 0 : i32
    %dma_wait3A_538 = tpu.memref_slice %arg10[%dma_wait3A_536, %dma_wait3A_537] : memref<672x128xf32, #tpu.memory_space<vmem>> -> memref<96x128xf32, #tpu.memory_space<vmem>>
    tpu.wait_dma2 semaphore(%arg12 : memref<!tpu.dma_semaphore, #tpu.memory_space<semaphore_mem>>) src(%dma_wait3A_538 : memref<96x128xf32, #tpu.memory_space<vmem>>) dst(%dma_wait3A_535 : memref<96x128xf32, #tpu.memory_space<hbm>>)
    %dma_wait3A_539 = arith.constant 192 : i32
    %dma_wait3A_540 = arith.constant 0 : i32
    %dma_wait3A_541 = tpu.memref_slice %arg10[%dma_wait3A_539, %dma_wait3A_540] : memref<672x128xf32, #tpu.memory_space<vmem>> -> memref<96x128xf32, #tpu.memory_space<vmem>>
    %dma_wait3A_542 = arith.constant 0 : i32
    %dma_wait3A_543 = tpu.memref_slice %arg7[%add3A_420, %dma_wait3A_542] : memref<21504x128xf32, #tpu.memory_space<hbm>> -> memref<96x128xf32, #tpu.memory_space<hbm>>
    %dma_wait3A_544 = arith.constant 0 : i32
    %dma_wait3A_545 = tpu.memref_slice %arg7[%add3A_420, %dma_wait3A_544] : memref<21504x128xf32, #tpu.memory_space<hbm>> -> memref<96x128xf32, #tpu.memory_space<hbm>>
    %dma_wait3A_546 = arith.constant 192 : i32
    %dma_wait3A_547 = arith.constant 0 : i32
    %dma_wait3A_548 = tpu.memref_slice %arg10[%dma_wait3A_546, %dma_wait3A_547] : memref<672x128xf32, #tpu.memory_space<vmem>> -> memref<96x128xf32, #tpu.memory_space<vmem>>
    tpu.wait_dma2 semaphore(%arg12 : memref<!tpu.dma_semaphore, #tpu.memory_space<semaphore_mem>>) src(%dma_wait3A_548 : memref<96x128xf32, #tpu.memory_space<vmem>>) dst(%dma_wait3A_545 : memref<96x128xf32, #tpu.memory_space<hbm>>)
    %dma_wait3A_549 = arith.constant 288 : i32
    %dma_wait3A_550 = arith.constant 0 : i32
    %dma_wait3A_551 = tpu.memref_slice %arg10[%dma_wait3A_549, %dma_wait3A_550] : memref<672x128xf32, #tpu.memory_space<vmem>> -> memref<96x128xf32, #tpu.memory_space<vmem>>
    %dma_wait3A_552 = arith.constant 0 : i32
    %dma_wait3A_553 = tpu.memref_slice %arg7[%add3A_442, %dma_wait3A_552] : memref<21504x128xf32, #tpu.memory_space<hbm>> -> memref<96x128xf32, #tpu.memory_space<hbm>>
    %dma_wait3A_554 = arith.constant 0 : i32
    %dma_wait3A_555 = tpu.memref_slice %arg7[%add3A_442, %dma_wait3A_554] : memref<21504x128xf32, #tpu.memory_space<hbm>> -> memref<96x128xf32, #tpu.memory_space<hbm>>
    %dma_wait3A_556 = arith.constant 288 : i32
    %dma_wait3A_557 = arith.constant 0 : i32
    %dma_wait3A_558 = tpu.memref_slice %arg10[%dma_wait3A_556, %dma_wait3A_557] : memref<672x128xf32, #tpu.memory_space<vmem>> -> memref<96x128xf32, #tpu.memory_space<vmem>>
    tpu.wait_dma2 semaphore(%arg12 : memref<!tpu.dma_semaphore, #tpu.memory_space<semaphore_mem>>) src(%dma_wait3A_558 : memref<96x128xf32, #tpu.memory_space<vmem>>) dst(%dma_wait3A_555 : memref<96x128xf32, #tpu.memory_space<hbm>>)
    %dma_wait3A_559 = arith.constant 384 : i32
    %dma_wait3A_560 = arith.constant 0 : i32
    %dma_wait3A_561 = tpu.memref_slice %arg10[%dma_wait3A_559, %dma_wait3A_560] : memref<672x128xf32, #tpu.memory_space<vmem>> -> memref<96x128xf32, #tpu.memory_space<vmem>>
    %dma_wait3A_562 = arith.constant 0 : i32
    %dma_wait3A_563 = tpu.memref_slice %arg7[%add3A_464, %dma_wait3A_562] : memref<21504x128xf32, #tpu.memory_space<hbm>> -> memref<96x128xf32, #tpu.memory_space<hbm>>
    %dma_wait3A_564 = arith.constant 0 : i32
    %dma_wait3A_565 = tpu.memref_slice %arg7[%add3A_464, %dma_wait3A_564] : memref<21504x128xf32, #tpu.memory_space<hbm>> -> memref<96x128xf32, #tpu.memory_space<hbm>>
    %dma_wait3A_566 = arith.constant 384 : i32
    %dma_wait3A_567 = arith.constant 0 : i32
    %dma_wait3A_568 = tpu.memref_slice %arg10[%dma_wait3A_566, %dma_wait3A_567] : memref<672x128xf32, #tpu.memory_space<vmem>> -> memref<96x128xf32, #tpu.memory_space<vmem>>
    tpu.wait_dma2 semaphore(%arg12 : memref<!tpu.dma_semaphore, #tpu.memory_space<semaphore_mem>>) src(%dma_wait3A_568 : memref<96x128xf32, #tpu.memory_space<vmem>>) dst(%dma_wait3A_565 : memref<96x128xf32, #tpu.memory_space<hbm>>)
    %dma_wait3A_569 = arith.constant 480 : i32
    %dma_wait3A_570 = arith.constant 0 : i32
    %dma_wait3A_571 = tpu.memref_slice %arg10[%dma_wait3A_569, %dma_wait3A_570] : memref<672x128xf32, #tpu.memory_space<vmem>> -> memref<96x128xf32, #tpu.memory_space<vmem>>
    %dma_wait3A_572 = arith.constant 0 : i32
    %dma_wait3A_573 = tpu.memref_slice %arg7[%add3A_486, %dma_wait3A_572] : memref<21504x128xf32, #tpu.memory_space<hbm>> -> memref<96x128xf32, #tpu.memory_space<hbm>>
    %dma_wait3A_574 = arith.constant 0 : i32
    %dma_wait3A_575 = tpu.memref_slice %arg7[%add3A_486, %dma_wait3A_574] : memref<21504x128xf32, #tpu.memory_space<hbm>> -> memref<96x128xf32, #tpu.memory_space<hbm>>
    %dma_wait3A_576 = arith.constant 480 : i32
    %dma_wait3A_577 = arith.constant 0 : i32
    %dma_wait3A_578 = tpu.memref_slice %arg10[%dma_wait3A_576, %dma_wait3A_577] : memref<672x128xf32, #tpu.memory_space<vmem>> -> memref<96x128xf32, #tpu.memory_space<vmem>>
    tpu.wait_dma2 semaphore(%arg12 : memref<!tpu.dma_semaphore, #tpu.memory_space<semaphore_mem>>) src(%dma_wait3A_578 : memref<96x128xf32, #tpu.memory_space<vmem>>) dst(%dma_wait3A_575 : memref<96x128xf32, #tpu.memory_space<hbm>>)
    %dma_wait3A_579 = arith.constant 576 : i32
    %dma_wait3A_580 = arith.constant 0 : i32
    %dma_wait3A_581 = tpu.memref_slice %arg10[%dma_wait3A_579, %dma_wait3A_580] : memref<672x128xf32, #tpu.memory_space<vmem>> -> memref<96x128xf32, #tpu.memory_space<vmem>>
    %dma_wait3A_582 = arith.constant 0 : i32
    %dma_wait3A_583 = tpu.memref_slice %arg7[%add3A_508, %dma_wait3A_582] : memref<21504x128xf32, #tpu.memory_space<hbm>> -> memref<96x128xf32, #tpu.memory_space<hbm>>
    %dma_wait3A_584 = arith.constant 0 : i32
    %dma_wait3A_585 = tpu.memref_slice %arg7[%add3A_508, %dma_wait3A_584] : memref<21504x128xf32, #tpu.memory_space<hbm>> -> memref<96x128xf32, #tpu.memory_space<hbm>>
    %dma_wait3A_586 = arith.constant 576 : i32
    %dma_wait3A_587 = arith.constant 0 : i32
    %dma_wait3A_588 = tpu.memref_slice %arg10[%dma_wait3A_586, %dma_wait3A_587] : memref<672x128xf32, #tpu.memory_space<vmem>> -> memref<96x128xf32, #tpu.memory_space<vmem>>
    tpu.wait_dma2 semaphore(%arg12 : memref<!tpu.dma_semaphore, #tpu.memory_space<semaphore_mem>>) src(%dma_wait3A_588 : memref<96x128xf32, #tpu.memory_space<vmem>>) dst(%dma_wait3A_585 : memref<96x128xf32, #tpu.memory_space<hbm>>)
    return
  }
}

module attributes {stable_mosaic.version = 14 : i64} {
  func.func @_idx_body(%arg0: memref<1024x1xi32, #tpu.memory_space<vmem>>, %arg1: memref<1024x20xi32, #tpu.memory_space<vmem>>, %arg2: memref<1024x1xi32, #tpu.memory_space<vmem>>, %arg3: memref<1024x20xi32, #tpu.memory_space<vmem>>, %arg4: memref<21x1024xi32, #tpu.memory_space<vmem>>, %arg5: memref<21x1024xi32, #tpu.memory_space<vmem>>) attributes {dimension_semantics = [], scalar_prefetch = 0 : i64, scratch_operands = 0 : i64, tpu.core_type = #tpu.core_type<tc>} {
    %get3A = arith.constant 0 : index
    %get3A_0 = arith.constant 0 : index
    %get3A_1 = vector.load %arg0[%get3A, %get3A_0] : memref<1024x1xi32, #tpu.memory_space<vmem>>, vector<1024x1xi32>
    %get3A_2 = arith.constant 0 : index
    %get3A_3 = arith.constant 0 : index
    %get3A_4 = vector.load %arg1[%get3A_2, %get3A_3] : memref<1024x20xi32, #tpu.memory_space<vmem>>, vector<1024x20xi32>
    %concatenate3A = tpu.concatenate %get3A_1, %get3A_4 in 1 : vector<1024x1xi32>, vector<1024x20xi32> -> vector<1024x21xi32>
    %transpose3A = tpu.transpose %concatenate3A, [1, 0] : vector<1024x21xi32> -> vector<21x1024xi32>
    %swap3A = arith.constant 0 : index
    %swap3A_5 = arith.constant 0 : index
    %swap3A_6 = vector.load %arg4[%swap3A, %swap3A_5] : memref<21x1024xi32, #tpu.memory_space<vmem>>, vector<21x1024xi32>
    tpu.vector_store %arg4[%swap3A, %swap3A_5], %transpose3A {strides = array<i32>} : memref<21x1024xi32, #tpu.memory_space<vmem>>, vector<21x1024xi32>,
    %get3A_7 = arith.constant 0 : index
    %get3A_8 = arith.constant 0 : index
    %get3A_9 = vector.load %arg2[%get3A_7, %get3A_8] : memref<1024x1xi32, #tpu.memory_space<vmem>>, vector<1024x1xi32>
    %get3A_10 = arith.constant 0 : index
    %get3A_11 = arith.constant 0 : index
    %get3A_12 = vector.load %arg3[%get3A_10, %get3A_11] : memref<1024x20xi32, #tpu.memory_space<vmem>>, vector<1024x20xi32>
    %concatenate3A_13 = tpu.concatenate %get3A_9, %get3A_12 in 1 : vector<1024x1xi32>, vector<1024x20xi32> -> vector<1024x21xi32>
    %transpose3A_14 = tpu.transpose %concatenate3A_13, [1, 0] : vector<1024x21xi32> -> vector<21x1024xi32>
    %swap3A_15 = arith.constant 0 : index
    %swap3A_16 = arith.constant 0 : index
    %swap3A_17 = vector.load %arg5[%swap3A_15, %swap3A_16] : memref<21x1024xi32, #tpu.memory_space<vmem>>, vector<21x1024xi32>
    tpu.vector_store %arg5[%swap3A_15, %swap3A_16], %transpose3A_14 {strides = array<i32>} : memref<21x1024xi32, #tpu.memory_space<vmem>>, vector<21x1024xi32>,
    return
  }
}

module attributes {stable_mosaic.version = 14 : i64} {
  func.func @_tc_body(%arg0: i32, %arg1: memref<21x128x128xf32, #tpu.memory_space<vmem>>, %arg2: memref<21x128x128xf32, #tpu.memory_space<vmem>>, %arg3: memref<128x2xi32, #tpu.memory_space<vmem>>, %arg4: memref<4x128x1xf32, #tpu.memory_space<vmem>>, %arg5: memref<128x128xf32, #tpu.memory_space<vmem>>, %arg6: memref<128x128xf32, #tpu.memory_space<vmem>>, %arg7: memref<1x2xf32, #tpu.memory_space<vmem>>, %arg8: memref<128x256xf32, #tpu.memory_space<vmem>>) attributes {dimension_semantics = [#tpu.dimension_semantics<arbitrary>], iteration_bounds = array<i64: 8>, scalar_prefetch = 0 : i64, scratch_operands = 0 : i64, tpu.core_type = #tpu.core_type<tc>, window_params = [{transform_indices = @transform_0, window_bounds = array<i64: 21, 128, 128>}, {transform_indices = @transform_1, window_bounds = array<i64: 21, 128, 128>}, {transform_indices = @transform_2, window_bounds = array<i64: 128, 2>}, {pipeline_mode = #tpu.pipeline_mode<synchronous>, transform_indices = @transform_3, window_bounds = array<i64: 4, 128, 1>}, {pipeline_mode = #tpu.pipeline_mode<synchronous>, transform_indices = @transform_4, window_bounds = array<i64: 128, 128>}, {pipeline_mode = #tpu.pipeline_mode<synchronous>, transform_indices = @transform_5, window_bounds = array<i64: 128, 128>}, {pipeline_mode = #tpu.pipeline_mode<synchronous>, transform_indices = @transform_6, window_bounds = array<i64: 1, 2>}, {transform_indices = @transform_7, window_bounds = array<i64: 128, 256>}]} {
    %get3A = arith.constant 0 : index
    %get3A_0 = arith.constant 0 : index
    %get3A_1 = vector.load %arg7[%get3A, %get3A_0] : memref<1x2xf32, #tpu.memory_space<vmem>>, vector<1x2xf32>
    %broadcast_in_dim3A = arith.constant 1.000000e+00 : f32
    %broadcast_in_dim3A_2 = vector.broadcast %broadcast_in_dim3A : f32 to vector<1x128xf32>
    %iota3A = tpu.iota {dimensions = array<i32: 0>} : vector<21x128x128xi32>
    %convert_element_type3A = arith.sitofp %iota3A : vector<21x128x128xi32> to vector<21x128x128xf32>
    %get3A_3 = arith.constant 0 : index
    %get3A_4 = arith.constant 0 : index
    %get3A_5 = vector.load %arg3[%get3A_3, %get3A_4] : memref<128x2xi32, #tpu.memory_space<vmem>>, vector<128x2xi32>
    %convert_element_type3A_6 = arith.sitofp %get3A_5 : vector<128x2xi32> to vector<128x2xf32>
    %get3A_7 = arith.constant 0 : index
    %get3A_8 = arith.constant 0 : index
    %get3A_9 = arith.constant 0 : index
    %get3A_10 = vector.load %arg4[%get3A_7, %get3A_8, %get3A_9] : memref<4x128x1xf32, #tpu.memory_space<vmem>>, vector<4x128x1xf32>
    %get3A_11 = arith.constant 0 : index
    %get3A_12 = arith.constant 0 : index
    %get3A_13 = arith.constant 0 : index
    %get3A_14 = vector.load %arg1[%get3A_11, %get3A_12, %get3A_13] : memref<21x128x128xf32, #tpu.memory_space<vmem>>, vector<21x128x128xf32>
    %slice3A = vector.extract_strided_slice %convert_element_type3A_6 {offsets = [0, 0], sizes = [128, 1], strides = [1, 1]} : vector<128x2xf32> to vector<128x1xf32>
    %slice3A_15 = vector.extract_strided_slice %get3A_10 {offsets = [0, 0, 0], sizes = [1, 128, 1], strides = [1, 1, 1]} : vector<4x128x1xf32> to vector<1x128x1xf32>
    %squeeze3A = vector.shape_cast %slice3A_15 : vector<1x128x1xf32> to vector<128x1xf32>
    %slice3A_16 = vector.extract_strided_slice %get3A_10 {offsets = [1, 0, 0], sizes = [1, 128, 1], strides = [1, 1, 1]} : vector<4x128x1xf32> to vector<1x128x1xf32>
    %squeeze3A_17 = vector.shape_cast %slice3A_16 : vector<1x128x1xf32> to vector<128x1xf32>
    %get3A_18 = arith.constant 0 : index
    %get3A_19 = arith.constant 0 : index
    %get3A_20 = vector.load %arg5[%get3A_18, %get3A_19] : memref<128x128xf32, #tpu.memory_space<vmem>>, vector<128x128xf32>
    %slice3A_21 = vector.extract_strided_slice %get3A_1 {offsets = [0, 0], sizes = [1, 1], strides = [1, 1]} : vector<1x2xf32> to vector<1x1xf32>
    %squeeze3A_22 = vector.extract %slice3A_21[0, 0] : f32 from vector<1x1xf32>
    %dot_general3A = arith.constant dense<0.000000e+00> : vector<128x128xf32>
    %dot_general3A_23 = tpu.matmul %slice3A, %broadcast_in_dim3A_2, %dot_general3A {dimension_numbers = #tpu.dot_dimension_numbers<[1], [0], [0], [1], [0, 0, 1, 1], [], []>, transpose_lhs_hint = false} : vector<128x1xf32>, vector<1x128xf32>, vector<128x128xf32> -> vector<128x128xf32>
    %broadcast_in_dim3A_24 = vector.shape_cast %dot_general3A_23 : vector<128x128xf32> to vector<1x128x128xf32>
    %le3A = vector.broadcast %broadcast_in_dim3A_24 : vector<1x128x128xf32> to vector<21x128x128xf32>
    %le3A_25 = arith.cmpf ole, %convert_element_type3A, %le3A : vector<21x128x128xf32>
    %jit3A = arith.constant 0.000000e+00 : f32
    %broadcast_in_dim3A_26 = vector.broadcast %jit3A : f32 to vector<21x128x128xf32>
    %select_n3A = arith.select %le3A_25, %get3A_14, %broadcast_in_dim3A_26 : vector<21x128x128xi1>, vector<21x128x128xf32>
    %reshape3A = vector.shape_cast %select_n3A : vector<21x128x128xf32> to vector<2688x128xf32>
    %dot_general3A_27 = arith.constant dense<0.000000e+00> : vector<2688x1xf32>
    %dot_general3A_28 = tpu.matmul %reshape3A, %squeeze3A, %dot_general3A_27 {dimension_numbers = #tpu.dot_dimension_numbers<[1], [0], [0], [1], [0, 0, 1, 1], [], []>, transpose_lhs_hint = false} : vector<2688x128xf32>, vector<128x1xf32>, vector<2688x1xf32> -> vector<2688x1xf32>
    %dot_general3A_29 = arith.constant dense<0.000000e+00> : vector<2688x128xf32>
    %dot_general3A_30 = tpu.matmul %dot_general3A_28, %broadcast_in_dim3A_2, %dot_general3A_29 {dimension_numbers = #tpu.dot_dimension_numbers<[1], [0], [0], [1], [0, 0, 1, 1], [], []>, transpose_lhs_hint = false} : vector<2688x1xf32>, vector<1x128xf32>, vector<2688x128xf32> -> vector<2688x128xf32>
    %reshape3A_31 = vector.shape_cast %dot_general3A_30 : vector<2688x128xf32> to vector<21x128x128xf32>
    %slice3A_32 = vector.extract_strided_slice %get3A_14 {offsets = [0, 0, 0], sizes = [1, 128, 128], strides = [1, 1, 1]} : vector<21x128x128xf32> to vector<1x128x128xf32>
    %squeeze3A_33 = vector.shape_cast %slice3A_32 : vector<1x128x128xf32> to vector<128x128xf32>
    %dot_general3A_34 = arith.constant dense<0.000000e+00> : vector<128x1xf32>
    %dot_general3A_35 = tpu.matmul %squeeze3A_33, %squeeze3A_17, %dot_general3A_34 {dimension_numbers = #tpu.dot_dimension_numbers<[1], [0], [0], [1], [0, 0, 1, 1], [], []>, transpose_lhs_hint = false} : vector<128x128xf32>, vector<128x1xf32>, vector<128x1xf32> -> vector<128x1xf32>
    %dot_general3A_36 = arith.constant dense<0.000000e+00> : vector<128x128xf32>
    %dot_general3A_37 = tpu.matmul %dot_general3A_35, %broadcast_in_dim3A_2, %dot_general3A_36 {dimension_numbers = #tpu.dot_dimension_numbers<[1], [0], [0], [1], [0, 0, 1, 1], [], []>, transpose_lhs_hint = false} : vector<128x1xf32>, vector<1x128xf32>, vector<128x128xf32> -> vector<128x128xf32>
    %add3A = vector.broadcast %squeeze3A_22 : f32 to vector<128x128xf32>
    %add3A_38 = arith.addf %dot_general3A_37, %add3A : vector<128x128xf32>
    %broadcast_in_dim3A_39 = vector.shape_cast %add3A_38 : vector<128x128xf32> to vector<1x128x128xf32>
    %add3A_40 = vector.broadcast %broadcast_in_dim3A_39 : vector<1x128x128xf32> to vector<21x128x128xf32>
    %add3A_41 = arith.addf %reshape3A_31, %add3A_40 : vector<21x128x128xf32>
    %mul3A = arith.constant 0.00999999977 : f32
    %mul3A_42 = vector.broadcast %mul3A : f32 to vector<21x128x128xf32>
    %mul3A_43 = arith.mulf %mul3A_42, %add3A_41 : vector<21x128x128xf32>
    %max3A = arith.maximumf %add3A_41, %mul3A_43 : vector<21x128x128xf32>
    %reduce_max3A = arith.constant dense<0xFF800000> : vector<128x128xf32>
    %reduce_max3A_44 = vector.multi_reduction <maximumf>, %max3A, %reduce_max3A [0] : vector<21x128x128xf32> to vector<128x128xf32>
    %broadcast_in_dim3A_45 = vector.shape_cast %reduce_max3A_44 : vector<128x128xf32> to vector<1x128x128xf32>
    %sub3A = vector.broadcast %broadcast_in_dim3A_45 : vector<1x128x128xf32> to vector<21x128x128xf32>
    %sub3A_46 = arith.subf %max3A, %sub3A : vector<21x128x128xf32>
    %exp3A = math.exp %sub3A_46 : vector<21x128x128xf32>
    %reduce_sum3A = arith.constant dense<0.000000e+00> : vector<128x128xf32>
    %reduce_sum3A_47 = vector.multi_reduction <add>, %exp3A, %reduce_sum3A [0] : vector<21x128x128xf32> to vector<128x128xf32>
    %mul3A_48 = arith.mulf %exp3A, %select_n3A : vector<21x128x128xf32>
    %reduce_sum3A_49 = arith.constant dense<0.000000e+00> : vector<128x128xf32>
    %reduce_sum3A_50 = vector.multi_reduction <add>, %mul3A_48, %reduce_sum3A_49 [0] : vector<21x128x128xf32> to vector<128x128xf32>
    %div3A = arith.divf %reduce_sum3A_50, %reduce_sum3A_47 : vector<128x128xf32>
    %dot_general3A_51 = arith.constant dense<0.000000e+00> : vector<128x128xf32>
    %dot_general3A_52 = tpu.matmul %div3A, %get3A_20, %dot_general3A_51 {dimension_numbers = #tpu.dot_dimension_numbers<[1], [1], [0], [0], [0, 0, 1, 0], [], []>, transpose_lhs_hint = false} : vector<128x128xf32>, vector<128x128xf32>, vector<128x128xf32> -> vector<128x128xf32>
    %swap3A = arith.constant 0 : index
    %swap3A_53 = arith.constant 0 : index
    %swap3A_54 = vector.load %arg8[%swap3A, %swap3A_53] : memref<128x256xf32, #tpu.memory_space<vmem>>, vector<128x128xf32>
    tpu.vector_store %arg8[%swap3A, %swap3A_53], %dot_general3A_52 {strides = array<i32>} : memref<128x256xf32, #tpu.memory_space<vmem>>, vector<128x128xf32>,
    %get3A_55 = arith.constant 0 : index
    %get3A_56 = arith.constant 0 : index
    %get3A_57 = arith.constant 0 : index
    %get3A_58 = vector.load %arg2[%get3A_55, %get3A_56, %get3A_57] : memref<21x128x128xf32, #tpu.memory_space<vmem>>, vector<21x128x128xf32>
    %slice3A_59 = vector.extract_strided_slice %convert_element_type3A_6 {offsets = [0, 1], sizes = [128, 1], strides = [1, 1]} : vector<128x2xf32> to vector<128x1xf32>
    %slice3A_60 = vector.extract_strided_slice %get3A_10 {offsets = [2, 0, 0], sizes = [1, 128, 1], strides = [1, 1, 1]} : vector<4x128x1xf32> to vector<1x128x1xf32>
    %squeeze3A_61 = vector.shape_cast %slice3A_60 : vector<1x128x1xf32> to vector<128x1xf32>
    %slice3A_62 = vector.extract_strided_slice %get3A_10 {offsets = [3, 0, 0], sizes = [1, 128, 1], strides = [1, 1, 1]} : vector<4x128x1xf32> to vector<1x128x1xf32>
    %squeeze3A_63 = vector.shape_cast %slice3A_62 : vector<1x128x1xf32> to vector<128x1xf32>
    %get3A_64 = arith.constant 0 : index
    %get3A_65 = arith.constant 0 : index
    %get3A_66 = vector.load %arg6[%get3A_64, %get3A_65] : memref<128x128xf32, #tpu.memory_space<vmem>>, vector<128x128xf32>
    %slice3A_67 = vector.extract_strided_slice %get3A_1 {offsets = [0, 1], sizes = [1, 1], strides = [1, 1]} : vector<1x2xf32> to vector<1x1xf32>
    %squeeze3A_68 = vector.extract %slice3A_67[0, 0] : f32 from vector<1x1xf32>
    %dot_general3A_69 = arith.constant dense<0.000000e+00> : vector<128x128xf32>
    %dot_general3A_70 = tpu.matmul %slice3A_59, %broadcast_in_dim3A_2, %dot_general3A_69 {dimension_numbers = #tpu.dot_dimension_numbers<[1], [0], [0], [1], [0, 0, 1, 1], [], []>, transpose_lhs_hint = false} : vector<128x1xf32>, vector<1x128xf32>, vector<128x128xf32> -> vector<128x128xf32>
    %broadcast_in_dim3A_71 = vector.shape_cast %dot_general3A_70 : vector<128x128xf32> to vector<1x128x128xf32>
    %le3A_72 = vector.broadcast %broadcast_in_dim3A_71 : vector<1x128x128xf32> to vector<21x128x128xf32>
    %le3A_73 = arith.cmpf ole, %convert_element_type3A, %le3A_72 : vector<21x128x128xf32>
    %jit3A_74 = arith.constant 0.000000e+00 : f32
    %broadcast_in_dim3A_75 = vector.broadcast %jit3A_74 : f32 to vector<21x128x128xf32>
    %select_n3A_76 = arith.select %le3A_73, %get3A_58, %broadcast_in_dim3A_75 : vector<21x128x128xi1>, vector<21x128x128xf32>
    %reshape3A_77 = vector.shape_cast %select_n3A_76 : vector<21x128x128xf32> to vector<2688x128xf32>
    %dot_general3A_78 = arith.constant dense<0.000000e+00> : vector<2688x1xf32>
    %dot_general3A_79 = tpu.matmul %reshape3A_77, %squeeze3A_61, %dot_general3A_78 {dimension_numbers = #tpu.dot_dimension_numbers<[1], [0], [0], [1], [0, 0, 1, 1], [], []>, transpose_lhs_hint = false} : vector<2688x128xf32>, vector<128x1xf32>, vector<2688x1xf32> -> vector<2688x1xf32>
    %dot_general3A_80 = arith.constant dense<0.000000e+00> : vector<2688x128xf32>
    %dot_general3A_81 = tpu.matmul %dot_general3A_79, %broadcast_in_dim3A_2, %dot_general3A_80 {dimension_numbers = #tpu.dot_dimension_numbers<[1], [0], [0], [1], [0, 0, 1, 1], [], []>, transpose_lhs_hint = false} : vector<2688x1xf32>, vector<1x128xf32>, vector<2688x128xf32> -> vector<2688x128xf32>
    %reshape3A_82 = vector.shape_cast %dot_general3A_81 : vector<2688x128xf32> to vector<21x128x128xf32>
    %slice3A_83 = vector.extract_strided_slice %get3A_58 {offsets = [0, 0, 0], sizes = [1, 128, 128], strides = [1, 1, 1]} : vector<21x128x128xf32> to vector<1x128x128xf32>
    %squeeze3A_84 = vector.shape_cast %slice3A_83 : vector<1x128x128xf32> to vector<128x128xf32>
    %dot_general3A_85 = arith.constant dense<0.000000e+00> : vector<128x1xf32>
    %dot_general3A_86 = tpu.matmul %squeeze3A_84, %squeeze3A_63, %dot_general3A_85 {dimension_numbers = #tpu.dot_dimension_numbers<[1], [0], [0], [1], [0, 0, 1, 1], [], []>, transpose_lhs_hint = false} : vector<128x128xf32>, vector<128x1xf32>, vector<128x1xf32> -> vector<128x1xf32>
    %dot_general3A_87 = arith.constant dense<0.000000e+00> : vector<128x128xf32>
    %dot_general3A_88 = tpu.matmul %dot_general3A_86, %broadcast_in_dim3A_2, %dot_general3A_87 {dimension_numbers = #tpu.dot_dimension_numbers<[1], [0], [0], [1], [0, 0, 1, 1], [], []>, transpose_lhs_hint = false} : vector<128x1xf32>, vector<1x128xf32>, vector<128x128xf32> -> vector<128x128xf32>
    %add3A_89 = vector.broadcast %squeeze3A_68 : f32 to vector<128x128xf32>
    %add3A_90 = arith.addf %dot_general3A_88, %add3A_89 : vector<128x128xf32>
    %broadcast_in_dim3A_91 = vector.shape_cast %add3A_90 : vector<128x128xf32> to vector<1x128x128xf32>
    %add3A_92 = vector.broadcast %broadcast_in_dim3A_91 : vector<1x128x128xf32> to vector<21x128x128xf32>
    %add3A_93 = arith.addf %reshape3A_82, %add3A_92 : vector<21x128x128xf32>
    %mul3A_94 = arith.constant 0.00999999977 : f32
    %mul3A_95 = vector.broadcast %mul3A_94 : f32 to vector<21x128x128xf32>
    %mul3A_96 = arith.mulf %mul3A_95, %add3A_93 : vector<21x128x128xf32>
    %max3A_97 = arith.maximumf %add3A_93, %mul3A_96 : vector<21x128x128xf32>
    %reduce_max3A_98 = arith.constant dense<0xFF800000> : vector<128x128xf32>
    %reduce_max3A_99 = vector.multi_reduction <maximumf>, %max3A_97, %reduce_max3A_98 [0] : vector<21x128x128xf32> to vector<128x128xf32>
    %broadcast_in_dim3A_100 = vector.shape_cast %reduce_max3A_99 : vector<128x128xf32> to vector<1x128x128xf32>
    %sub3A_101 = vector.broadcast %broadcast_in_dim3A_100 : vector<1x128x128xf32> to vector<21x128x128xf32>
    %sub3A_102 = arith.subf %max3A_97, %sub3A_101 : vector<21x128x128xf32>
    %exp3A_103 = math.exp %sub3A_102 : vector<21x128x128xf32>
    %reduce_sum3A_104 = arith.constant dense<0.000000e+00> : vector<128x128xf32>
    %reduce_sum3A_105 = vector.multi_reduction <add>, %exp3A_103, %reduce_sum3A_104 [0] : vector<21x128x128xf32> to vector<128x128xf32>
    %mul3A_106 = arith.mulf %exp3A_103, %select_n3A_76 : vector<21x128x128xf32>
    %reduce_sum3A_107 = arith.constant dense<0.000000e+00> : vector<128x128xf32>
    %reduce_sum3A_108 = vector.multi_reduction <add>, %mul3A_106, %reduce_sum3A_107 [0] : vector<21x128x128xf32> to vector<128x128xf32>
    %div3A_109 = arith.divf %reduce_sum3A_108, %reduce_sum3A_105 : vector<128x128xf32>
    %dot_general3A_110 = arith.constant dense<0.000000e+00> : vector<128x128xf32>
    %dot_general3A_111 = tpu.matmul %div3A_109, %get3A_66, %dot_general3A_110 {dimension_numbers = #tpu.dot_dimension_numbers<[1], [1], [0], [0], [0, 0, 1, 0], [], []>, transpose_lhs_hint = false} : vector<128x128xf32>, vector<128x128xf32>, vector<128x128xf32> -> vector<128x128xf32>
    %swap3A_112 = arith.constant 0 : index
    %swap3A_113 = arith.constant 128 : index
    %swap3A_114 = vector.load %arg8[%swap3A_112, %swap3A_113] : memref<128x256xf32, #tpu.memory_space<vmem>>, vector<128x128xf32>
    tpu.vector_store %arg8[%swap3A_112, %swap3A_113], %dot_general3A_111 {strides = array<i32>} : memref<128x256xf32, #tpu.memory_space<vmem>>, vector<128x128xf32>,
    return
  }
  func.func @transform_0(%arg0: i32) -> (i32, i32, i32) {
    %c0_i32 = arith.constant 0 : i32
    %c0_i32_0 = arith.constant 0 : i32
    %c0_i32_1 = arith.constant 0 : i32
    return %c0_i32, %arg0, %c0_i32_0 : i32, i32, i32
  }
  func.func @transform_1(%arg0: i32) -> (i32, i32, i32) {
    %c0_i32 = arith.constant 0 : i32
    %c0_i32_0 = arith.constant 0 : i32
    %c0_i32_1 = arith.constant 0 : i32
    return %c0_i32, %arg0, %c0_i32_0 : i32, i32, i32
  }
  func.func @transform_2(%arg0: i32) -> (i32, i32) {
    %c0_i32 = arith.constant 0 : i32
    %c0_i32_0 = arith.constant 0 : i32
    return %arg0, %c0_i32 : i32, i32
  }
  func.func @transform_3(%arg0: i32) -> (i32, i32, i32) {
    %c0_i32 = arith.constant 0 : i32
    %c0_i32_0 = arith.constant 0 : i32
    %c0_i32_1 = arith.constant 0 : i32
    %c0_i32_2 = arith.constant 0 : i32
    return %c0_i32, %c0_i32_0, %c0_i32_1 : i32, i32, i32
  }
  func.func @transform_4(%arg0: i32) -> (i32, i32) {
    %c0_i32 = arith.constant 0 : i32
    %c0_i32_0 = arith.constant 0 : i32
    %c0_i32_1 = arith.constant 0 : i32
    return %c0_i32, %c0_i32_0 : i32, i32
  }
  func.func @transform_5(%arg0: i32) -> (i32, i32) {
    %c0_i32 = arith.constant 0 : i32
    %c0_i32_0 = arith.constant 0 : i32
    %c0_i32_1 = arith.constant 0 : i32
    return %c0_i32, %c0_i32_0 : i32, i32
  }
  func.func @transform_6(%arg0: i32) -> (i32, i32) {
    %c0_i32 = arith.constant 0 : i32
    %c0_i32_0 = arith.constant 0 : i32
    %c0_i32_1 = arith.constant 0 : i32
    return %c0_i32, %c0_i32_0 : i32, i32
  }
  func.func @transform_7(%arg0: i32) -> (i32, i32) {
    %c0_i32 = arith.constant 0 : i32
    %c0_i32_0 = arith.constant 0 : i32
    return %arg0, %c0_i32 : i32, i32
  }
}

</mosaic_0001>

<sc_bundles>
// kernel: kernel.5.cloned.1.call-start
scs
__scs_entry_jumppad:
0x0: {  	(pc) =	sbr.rel $0x88, $3  }
0x1: {  	(tag) =	ssettag $0x0;
	lr =	simm.s32 $0x1  }
0x2: {  	[smem:$0x3F93] =	sst lr;
	_ =	strace $0xD0000000  }
0x3: {  	_ = 	snop  }
0x4: {  	_ = 	snop  }
0x5: {  	_ = 	snop  }
0x6: {  	_ = 	snop  }
0x7: {  	_ = 	snop  }
__scs_overlays_trampoline_lowered:
0x8: {  	[smem:$0x3FA2] =	sst s0  }
0x9: {  	[smem:$0x3FA3] =	sst s1  }
0xa: {  	[smem:$0x3FA4] =	sst s2  }
0xb: {  	[smem:$0x3FA5] =	sst s3  }
0xc: {  	[smem:$0x3FA6] =	sst s4  }
0xd: {  	[smem:$0x3FA7] =	sst s5  }
0xe: {  	[smem:$0x3FA8] =	sst s6  }
0xf: {  	[smem:$0x3FA9] =	sst s7  }
0x10: {  	[smem:$0x3FAA] =	sst s8  }
0x11: {  	[smem:$0x3FAB] =	sst s9;
	s0 =	simm.s32 @!p0 $0x0  }
0x12: {  	s1 =	sld [smem:$0x3F91];
	s0 =	simm.s32 @p0 $0x1  }
0x13: {  	[smem:$0x3FAC] =	sst s0;
	s0 =	simm.s32 @!p1 $0x0  }
0x14: {  	s2 =	sld [smem:$0x3F90];
	s0 =	simm.s32 @p1 $0x1  }
0x15: {  	[smem:$0x3FAD] =	sst s0;
	s0 =	simm.s32 @!p2 $0x0  }
0x16: {  	s3 =	sld [smem:$0x3FDB];
	s0 =	simm.s32 @p2 $0x1  }
0x17: {  	s4 =	simm.s32 $0x1BF5;
	[smem:$0x3FAF] =	sst s0  }
0x18: {  	s0 =	sld [smem:$0x3F92];
	_ =	swait.ge [sflag:s4], $0x0  }
0x19: {  	s7 =	sld [smem:$0x3F93]  }
0x1a: {  	s8 =	sadd.s32 $0xFFFFE003, lr  }
0x1b: {  	s9 =	sadd.s32 $0xFFFFFEF7, lr;
	s5 =	simm.s32 $0xFFFFFFFF;
	p2 =	slt.u32 s8, $0xFFFFF086  }
0x1c: {  	p1 =	slt.u32 s9, $0xF7A;
	s5 =	simm.s32 @!p2 $0x0  }
0x1d: {  	s5 =	simm.s32 @p1 $0x1;
	p0 =	seq.s32 s7, s2  }
0x1e: {  	s7 =	smul.u32 @!p0 $0xF7A, s2;
	p2 =	seq.s32 @!p0 s5, $0x0  }
0x1f: {  	s9 =	smul.u32 $0xF7A, s1;
	s8 =	simm.s32 @!p0 $0x1BF5;
	p2 =	por !p2, p0  }
0x20: {  	[sflag:s8] =	ssyncset.s32 @!p0 $0xFFFFF086;
	s6 =	sadd.s32 @!p0 s3, s7;
	s7 =	simm.s32 @!p0 $0x108  }
0x21: {  	s3 =	sadd.s32 s3, s9;
	s6 =	sadd.s32 @!p0 $0x88, s6;
	s7 =	simm.s32 @p2 $0x1082  }
0x22: {  	[simem:s7], [sflag:s8] =	dma.local @!p0 [hbm:s6], $0xF7A  }
0x23: {  	s9 =	sor.u32 $0xD0000000, s2;
	s6 =	simm.s32 $0x108;
	_ =	swait.ge @!p0 [sflag:s8], $0x0  }
0x24: {  	s3 =	sadd.s32 $0x88, s3;
	s6 =	simm.s32 @!p1 $0x1082;
	[sflag:s4] =	ssyncset.s32 $0xFFFFF086  }
0x25: {  	[simem:s6], [sflag:s4] =	dma.local [hbm:s3], $0xF7A  }
0x26: {  	[smem:$0x3F93] =	sst s1;
	(tag) =	ssettag s2;
	_ =	strace s9  }
0x27: {  	s1 =	sld [smem:$0x3FA3]  }
0x28: {  	s2 =	sld [smem:$0x3FA4]  }
0x29: {  	s4 =	sld [smem:$0x3FA6]  }
0x2a: {  	p0 =	seq.s32 s5, $0x0;
	s5 =	sld [smem:$0x3FA7]  }
0x2b: {  	s6 =	sld [smem:$0x3FA8]  }
0x2c: {  	s7 =	sld [smem:$0x3FA9]  }
0x2d: {  	s3 =	simm.s32 $0x108;
	s8 =	sld [smem:$0x3FAA]  }
0x2e: {  	s3 =	simm.s32 @!p0 $0x1082;
	s9 =	sld [smem:$0x3FAB]  }
0x2f: {  	lr =	sadd.s32 s0, s3;
	s0 =	sld [smem:$0x3FA2]  }
0x30: {  	s3 =	sld [smem:$0x3FA5]  }
0x31: {  	[smem:$0x3FAE] =	sst s10  }
0x32: {  	s10 =	sld [smem:$0x3FAC];
	_ =	sdelay $0x3  }
0x33: {  	p0 =	seq.s32 s10, $0x1;
	s10 =	sld [smem:$0x3FAE];
	_ =	sdelay $0x3  }
0x34: {  	[smem:$0x3FAE] =	sst s10  }
0x35: {  	s10 =	sld [smem:$0x3FAD];
	_ =	sdelay $0x3  }
0x36: {  	p1 =	seq.s32 s10, $0x1;
	s10 =	sld [smem:$0x3FAE];
	_ =	sdelay $0x3  }
0x37: {  	[smem:$0x3FAE] =	sst s10  }
0x38: {  	s10 =	sld [smem:$0x3FAF]  }
0x39: {  	_ = 	snop;
	(pc) =	sbr.ind lr, $3  }
0x3a: {  	_ = 	snop  }
0x3b: {  	_ = 	snop  }
0x3c: {  	p2 =	seq.s32 s10, $0x1;
	s10 =	sld [smem:$0x3FAE]  }
0x3d: {  	_ =	shalt  }
0x3e: {  	_ =	shalt  }
0x3f: {  	_ =	shalt  }
0x40: {  	_ =	shalt  }
0x41: {  	_ =	shalt  }
0x42: {  	_ =	shalt  }
0x43: {  	_ =	shalt  }
0x44: {  	_ =	shalt  }
0x45: {  	_ =	shalt  }
0x46: {  	_ =	shalt  }
0x47: {  	_ =	shalt  }
0x48: {  	_ =	shalt  }
0x49: {  	_ =	shalt  }
0x4a: {  	_ =	shalt  }
0x4b: {  	_ =	shalt  }
0x4c: {  	_ =	shalt  }
0x4d: {  	_ =	shalt  }
0x4e: {  	_ =	shalt  }
0x4f: {  	_ =	shalt  }
0x50: {  	_ =	shalt  }
0x51: {  	_ =	shalt  }
0x52: {  	_ =	shalt  }
0x53: {  	_ =	shalt  }
0x54: {  	_ =	shalt  }
0x55: {  	_ =	shalt  }
0x56: {  	_ =	shalt  }
0x57: {  	_ =	shalt  }
0x58: {  	_ =	shalt  }
0x59: {  	_ =	shalt  }
0x5a: {  	_ =	shalt  }
0x5b: {  	_ =	shalt  }
0x5c: {  	_ =	shalt  }
0x5d: {  	_ =	shalt  }
0x5e: {  	_ =	shalt  }
0x5f: {  	_ =	shalt  }
0x60: {  	_ =	shalt  }
0x61: {  	_ =	shalt  }
0x62: {  	_ =	shalt  }
0x63: {  	_ =	shalt  }
0x64: {  	_ =	shalt  }
0x65: {  	_ =	shalt  }
0x66: {  	_ =	shalt  }
0x67: {  	_ =	shalt  }
0x68: {  	_ =	shalt  }
0x69: {  	_ =	shalt  }
0x6a: {  	_ =	shalt  }
0x6b: {  	_ =	shalt  }
0x6c: {  	_ =	shalt  }
0x6d: {  	_ =	shalt  }
0x6e: {  	_ =	shalt  }
0x6f: {  	_ =	shalt  }
0x70: {  	_ =	shalt  }
0x71: {  	_ =	shalt  }
0x72: {  	_ =	shalt  }
0x73: {  	_ =	shalt  }
0x74: {  	_ =	shalt  }
0x75: {  	_ =	shalt  }
0x76: {  	_ =	shalt  }
0x77: {  	_ =	shalt  }
0x78: {  	_ =	shalt  }
0x79: {  	_ =	shalt  }
0x7a: {  	_ =	shalt  }
0x7b: {  	_ =	shalt  }
0x7c: {  	_ =	shalt  }
0x7d: {  	_ =	shalt  }
0x7e: {  	_ =	shalt  }
0x7f: {  	_ =	shalt  }
0x80: {  	_ =	shalt  }
0x81: {  	_ =	shalt  }
0x82: {  	_ =	shalt  }
0x83: {  	_ =	shalt  }
0x84: {  	_ =	shalt  }
0x85: {  	_ =	shalt  }
0x86: {  	_ =	shalt  }
0x87: {  	_ =	shalt  }
.Lfunc_end0:
.L_simem_size_0:
called_computation_lowered:
.L_overlay_start_0:
0x88: {  	s2 =	sld [smem:$0x3FD9]  }
0x89: {  	s3 =	sld [smem:$0x3FFE];
	_ =	sdelay $0x1  }
0x8a: {  	s1 =	srdreg.scid  }
0x8b: {  	s0 =	sand.u32 $0x1, s1  }
0x8c: {  	s17 =	sshll.u32 s0, $0xA;
	s2 =	sadd.s32 s3, s2  }
0x8d: {  	s2 =	sadd.s32 s2, s17  }
0x8e: {  	[smem:$0x3FBA] =	sst s2  }
0x8f: {  	_ = 	snop  }
0x90: {  	s2 =	sld [smem:$0x3FC3]  }
0x91: {  	s18 =	sld [smem:$0x3FC2]  }
0x92: {  	s4 =	sld [smem:$0x3FD0];
	(tm) =	ssettm $0x1  }
0x93: {  	s5 =	sld [smem:$0x3FFB];
	_ =	sdelay $0x3  }
0x94: {  	_ =	strace s5  }
0x95: {  	s5 =	sld [smem:$0x3FFC];
	_ =	sdelay $0x3  }
0x96: {  	_ =	strace s5  }
0x97: {  	s5 =	sld [smem:$0x3FFD];
	_ =	sdelay $0x3  }
0x98: {  	_ =	strace s5  }
0x99: {  	_ =	strace $0x8FFFFFFF  }
0x9a: {  	s19 =	sld [smem:$0x3FDB];
	_ =	sdelay $0x1  }
0x9b: {  	s6 =	simm.s32 $_scs_section_size  }
0x9c: {  	s7 =	simm.s32 $_size__tile_overlayer_lowered;
	s8 =	simm.s32 $_tile_overlayer_lowered  }
0x9d: {  	s22 =	simm.s32 $0x1BFF;
	s21 =	sshll.u32 s8, $0x1;
	s5 =	sadd.s32 s6, s19  }
0x9e: {  	s9 =	simm.s32 $0x0;
	s20 =	sshll.u32 s7, $0x1;
	s7 =	sadd.s32 s21, s5  }
0x9f: {  	[timem:s9], [sflag:s22] =	dma.local [hbm:s7], s20  }
0xa0: {  	_ =	swait.ge [sflag:s22], s20  }
0xa1: {  	s6 =	ssub.s32 $0x0, s20;
	[sflag:s22] =	ssyncset.done $0x0  }
0xa2: {  	[sflag:s22] =	ssyncadd.s32 s6;
	_ =	sdelay $0x1  }
0xa3: {  	s23 =	simm.s32 $0x1B8B  }
0xa4: {  	_ =	swait.ge [sflag:s23], $0x1  }
0xa5: {  	[sflag:s23] =	ssyncset.done $0x0  }
0xa6: {  	s25 =	simm.s32 $0x1B8E;
	s24 =	sld [smem:$0x3FFE];
	[sflag:s23] =	ssyncadd.s32 $0xFFFFFFFF  }
0xa7: {  	s26 =	simm.s32 $execute0_lowered;
	[smem:$0x3FD2] =	sst s25  }
0xa8: {  	s7 =	sshll.u32 s26, $0x1;
	_ =	strace $0x80000046;
	[dreg:$0x1] =	wrdreg $0xFFFFFFFF  }
0xa9: {  	s28 =	simm.s32 $_size_execute0_lowered;
	s5 =	sadd.s32 s5, s7;
	[dreg:$0x0] =	wrdreg $0x0  }
0xaa: {  	s7 =	sshll.u32 s28, $0x1;
	[dreg:$0x2] =	wrdreg s5  }
0xab: {  	[dreg:$0x3] =	wrdreg s7  }
0xac: {  	[dreg:$0x4] =	wrdreg $0xC0  }
0xad: {  	_ =	task [dreg:s9], $0x5FFFF  }
0xae: {  	[dreg:$0x1] =	wrdreg $0xFFFFFFFF  }
0xaf: {  	[dreg:$0x0] =	wrdreg $0x60  }
0xb0: {  	[dreg:$0x2] =	wrdreg s2  }
0xb1: {  	[dreg:$0x3] =	wrdreg s18  }
0xb2: {  	[dreg:$0x4] =	wrdreg s4  }
0xb3: {  	[dreg:$0x5] =	wrdreg s24  }
0xb4: {  	[dreg:$0x6] =	wrdreg $0x9  }
0xb5: {  	_ =	task.clear_ibuf [dreg:s9], $0x7FFFF;
	_ =	strace $0x90000046  }
0xb6: {  	s29 =	simm.s32 $0x9;
	_ =	strace $0x80000048  }
0xb7: {  	_ =	swait.ge [sflag:s29], $0x1  }
0xb8: {  	[sflag:s29] =	ssyncadd.s32 $0xFFFFFFFF  }
0xb9: {  	_ =	strace $0x90000048  }
0xba: {  	_ =	sfence  }
0xbb: {  	s30 =	sld [smem:$0x0];
	_ =	sdelay $0x2  }
0xbc: {  	s31 =	sshll.u32 s1, $0xD;
	s1 =	sshrl.u32 s1, $0x2  }
0xbd: {  	s3 =	sand.u32 $0x4000, s31;
	s1 =	sadd.s32 s1, s30  }
0xbe: {  	s0 =	sor.u32 s3, s0;
	s1 =	sshll.u32 s1, $0x11  }
0xbf: {  	s0 =	sor.u32 s1, s0  }
0xc0: {  	s0 =	sadd.s32 $0x8F2B, s0  }
0xc1: {  	[sflag:s0] =	ssyncadd.remote.s32 $0x1  }
0xc2: {  	_ =	sfence.sel $0xFFFF  }
0xc3: {  	[dreg:$0x0] =	wrdreg $0xFFFFFFFF;
	(pc) =	sbr.abs _section_cstart, $3  }
0xc4: {  	[dreg:$0x1] =	wrdreg $0xFFFFFFFF  }
0xc5: {  	_ =	task.clear_ibuf [dreg:s9], $0x2FFFF;
	_ =	strace $0x9FFFFFFF  }
0xc6: {  	(tm) =	ssettm $0x7FFFFFFF  }
0xc7: {  	_ =	shalt  }
tec
execute0_lowered:
.L_overlay_start_1:
0x0: {  	(tag) =	ssettag $0x1  }
0x1: {  	s16 =	rddreg [dreg:$0x0]  }
0x2: {  	s3 =	rddreg [dreg:$0x1]  }
0x3: {  	s0 =	rddreg [dreg:$0x2];
	s1 =	srdreg.scid  }
0x4: {  	s2 =	stileid.u32;
	s4 =	rddreg [dreg:$0x3];
	s28 =	simm.s32 $0x180  }
0x5: {  	s29 =	simm.s32 $0x200;
	s30 =	simm.s32 $0x280;
	s31 =	simm.s32 $0x300  }
0x6: {  	p0 =	por $0x0, $0x0;
	s1 =	sand.u32 $0x1, s1;
	s5 =	sshll.u32 s2, $0x1  }
0x7: {  	s2 =	simm.s32 $0x0;
	s9 =	sadd.s32 $0x2A00, s4;
	s5 =	sor.u32 s1, s5  }
0x8: {  	[smem:$0x7FF] =	sst s2;
	s1 =	ssub.s32 $0x2, s1;
	s8 =	smul.u32 $0x15000, s5  }
0x9: {  	s6 =	sshll.u32 s5, $0x7;
	_ =	strace $0x80000047;
	s5 =	smul.u32 $0x2A00, s5  }
0xa: {  	s21 =	sshrl.u32 s1, $0x1;
	s7 =	sadd.s32 s6, s4;
	s0 =	sadd.s32 s0, s6  }
0xb: {  	s4 =	sadd.s32 $0x56A00, s4;
	s1 =	ssub.s32 s1, s21;
	s21 =	simm.s32 $0x580  }
0xc: {  	[dreg:$0x5] =	wrdreg s0;
	s23 =	sadd.s32 $0x1A00, s7;
	s24 =	sshrl.u32 s8, $0x3  }
0xd: {  	s25 =	sadd.s32 s9, s5;
	s17 =	sadd.s32 s4, s5;
	[dreg:$0x6] =	wrdreg s23  }
0xe: {  	s7 =	simm.s32 $0x12800;
	s26 =	sadd.s32 $0x600, s24;
	[dreg:$0x7] =	wrdreg s25  }
0xf: {  	s8 =	sadd.s32 $0xC00, s24;
	[dreg:$0xe] =	wrdreg s17;
	s23 =	smax.u32 s1, $0x1  }
0x10: {  	s17 =	simm.s32 $0x400;
	s25 =	simm.s32 $0x80;
	s0 =	rddreg [dreg:$0x5]  }
0x11: {  	s10 =	sadd.s32 s9, s26;
	s11 =	sadd.s32 s9, s8;
	s18 =	sadd.s32 s4, s26  }
0x12: {  	s19 =	sadd.s32 s4, s8;
	s26 =	simm.s32 $0x100;
	[dreg:$0x8] =	wrdreg s10  }
0x13: {  	s8 =	simm.s32 $0xF800;
	p1 =	sne.s32 s23, $0x1;
	[dreg:$0x9] =	wrdreg s11  }
0x14: {  	s1 =	sadd.s32 $0xFFFFFFFF, s23;
	s23 =	simm.s32 $0x480;
	[dreg:$0xf] =	wrdreg s18  }
0x15: {  	s10 =	sadd.s32 $0x1200, s24;
	s11 =	sadd.s32 $0x1800, s24;
	[dreg:$0x10] =	wrdreg s19  }
0x16: {  	s19 =	simm.s32 $0x680;
	s18 =	simm.s32 $0x700;
	s12 =	sadd.s32 s9, s10  }
0x17: {  	s13 =	sadd.s32 s9, s11;
	s20 =	sadd.s32 s4, s10;
	[dreg:$0xa] =	wrdreg s12  }
0x18: {  	s22 =	sadd.s32 s4, s11;
	s11 =	simm.s32 $0x9800;
	[dreg:$0xb] =	wrdreg s13  }
0x19: {  	s10 =	simm.s32 $0xC800;
	s12 =	sadd.s32 $0x1E00, s24;
	[dreg:$0x11] =	wrdreg s20  }
0x1a: {  	s13 =	sadd.s32 $0x2400, s24;
	[dreg:$0x12] =	wrdreg s22;
	s24 =	simm.s32 $0x3  }
.Ltmp0:
0x1b: {  	s22 =	simm.s32 $0x500;
	s20 =	simm.s32 $0x600;
	(pc) =	sbr.rel @!p1 .LBB2_3-.Ltmp0, $4  }
0x1c: {  	s14 =	sadd.s32 s9, s12;
	s15 =	sadd.s32 s9, s13;
	s6 =	sadd.s32 s4, s12  }
0x1d: {  	s5 =	sadd.s32 s4, s13;
	s13 =	simm.s32 $0x3800;
	s12 =	simm.s32 $0x6800  }
0x1e: {  	s9 =	simm.s32 $0x1;
	s4 =	simm.s32 $0x2;
	[dreg:$0xc] =	wrdreg s14  }
0x1f: {  	[dreg:$0xd] =	wrdreg s15;
	s15 =	simm.s32 $0x60;
	s14 =	simm.s32 $0x800  }
0x20: {  	[tilespmem:s2], [sflag:$0x3] =	stream.linear.gather [hbm4b:s0+s2], $0x380, $0x38;
	[tilespmem:$0x15800] =	vst v63  }
0x21: {  	_ =	swait.ge [sflag:s24], $0x380  }
0x22: {  	[sflag:s24] =	ssyncset.done $0x0  }
0x23: {  	s0 =	rddreg [dreg:$0x6];
	[sflag:s24] =	ssyncadd.s32 $0xFFFFFC80  }
0x24: {  	[tilespmem:s17], [sflag:$0x3] =	stream.linear.gather [hbm4b:s0+s2], $0x380, $0x38;
	[tilespmem:$0x15800] =	vst v63  }
0x25: {  	_ =	swait.ge [sflag:s24], $0x380  }
0x26: {  	[sflag:s24] =	ssyncset.done $0x0  }
0x27: {  	[sflag:s24] =	ssyncadd.s32 $0xFFFFFC80  }
0x28: {  	[tilespmem:s14], [sflag:$0x1] =	stream.indirect.gather [hbm4b:s16+s15], $0x80, s2, s15, $0xb8;
	[tilespmem:$0x15800] =	vst v63  }
0x29: {  	_ = 	snop  }
0x2a: {  	[tilespmem:s13], [sflag:$0x1] =	stream.indirect.gather [hbm4b:s16+s15], $0x80, s25, s15, $0xb8;
	[tilespmem:$0x15800] =	vst v63  }
0x2b: {  	_ = 	snop  }
0x2c: {  	[tilespmem:s12], [sflag:$0x1] =	stream.indirect.gather [hbm4b:s16+s15], $0x80, s26, s15, $0xb8;
	[tilespmem:$0x15800] =	vst v63  }
0x2d: {  	_ = 	snop  }
0x2e: {  	[tilespmem:s11], [sflag:$0x1] =	stream.indirect.gather [hbm4b:s16+s15], $0x80, s28, s15, $0xb8;
	[tilespmem:$0x15800] =	vst v63  }
0x2f: {  	_ = 	snop  }
0x30: {  	[tilespmem:s10], [sflag:$0x1] =	stream.indirect.gather [hbm4b:s16+s15], $0x80, s29, s15, $0xb8;
	[tilespmem:$0x15800] =	vst v63  }
0x31: {  	_ = 	snop  }
0x32: {  	[tilespmem:s8], [sflag:$0x1] =	stream.indirect.gather [hbm4b:s16+s15], $0x80, s30, s15, $0xb8;
	[tilespmem:$0x15800] =	vst v63  }
0x33: {  	_ = 	snop  }
0x34: {  	[tilespmem:s7], [sflag:$0x1] =	stream.indirect.gather [hbm4b:s16+s15], $0x80, s31, s15, $0xb8;
	[tilespmem:$0x15800] =	vst v63  }
0x35: {  	_ =	swait.ge [sflag:s9], $0x3000  }
0x36: {  	[sflag:s9] =	ssyncset.done $0x0  }
0x37: {  	s0 =	rddreg [dreg:$0x7];
	[sflag:s9] =	ssyncadd.s32 $0xFFFFD000  }
0x38: {  	[hbm4b:s0+s2] =	stream.linear.scatter [tilespmem:s14], [sflag:$0x2], $0x3000, $0x38;
	[tilespmem:$0x15800] =	vst v63  }
0x39: {  	_ =	swait.ge [sflag:s9], $0x3000  }
0x3a: {  	[sflag:s9] =	ssyncset.done $0x0  }
0x3b: {  	s0 =	rddreg [dreg:$0x8];
	[sflag:s9] =	ssyncadd.s32 $0xFFFFD000  }
0x3c: {  	[hbm4b:s0+s2] =	stream.linear.scatter [tilespmem:s13], [sflag:$0x2], $0x3000, $0x38;
	[tilespmem:$0x15800] =	vst v63  }
0x3d: {  	_ =	swait.ge [sflag:s9], $0x3000  }
0x3e: {  	[sflag:s9] =	ssyncset.done $0x0  }
0x3f: {  	s0 =	rddreg [dreg:$0x9];
	[sflag:s9] =	ssyncadd.s32 $0xFFFFD000  }
0x40: {  	[hbm4b:s0+s2] =	stream.linear.scatter [tilespmem:s12], [sflag:$0x2], $0x3000, $0x38;
	[tilespmem:$0x15800] =	vst v63  }
0x41: {  	_ =	swait.ge [sflag:s9], $0x3000  }
0x42: {  	[sflag:s9] =	ssyncset.done $0x0  }
0x43: {  	s0 =	rddreg [dreg:$0xa];
	[sflag:s9] =	ssyncadd.s32 $0xFFFFD000  }
0x44: {  	[hbm4b:s0+s2] =	stream.linear.scatter [tilespmem:s11], [sflag:$0x2], $0x3000, $0x38;
	[tilespmem:$0x15800] =	vst v63  }
0x45: {  	_ =	swait.ge [sflag:s9], $0x3000  }
0x46: {  	[sflag:s9] =	ssyncset.done $0x0  }
0x47: {  	s0 =	rddreg [dreg:$0xb];
	[sflag:s9] =	ssyncadd.s32 $0xFFFFD000  }
0x48: {  	[hbm4b:s0+s2] =	stream.linear.scatter [tilespmem:s10], [sflag:$0x2], $0x3000, $0x38;
	[tilespmem:$0x15800] =	vst v63  }
0x49: {  	_ =	swait.ge [sflag:s9], $0x3000  }
0x4a: {  	[sflag:s9] =	ssyncset.done $0x0  }
0x4b: {  	s0 =	rddreg [dreg:$0xc];
	[sflag:s9] =	ssyncadd.s32 $0xFFFFD000  }
0x4c: {  	[hbm4b:s0+s2] =	stream.linear.scatter [tilespmem:s8], [sflag:$0x2], $0x3000, $0x38;
	[tilespmem:$0x15800] =	vst v63  }
0x4d: {  	_ =	swait.ge [sflag:s9], $0x3000  }
0x4e: {  	[sflag:s9] =	ssyncset.done $0x0  }
0x4f: {  	s0 =	rddreg [dreg:$0xd];
	[sflag:s9] =	ssyncadd.s32 $0xFFFFD000  }
0x50: {  	[hbm4b:s0+s2] =	stream.linear.scatter [tilespmem:s7], [sflag:$0x2], $0x3000, $0x38;
	[tilespmem:$0x15800] =	vst v63  }
0x51: {  	_ =	swait.ge [sflag:s4], $0x3000  }
0x52: {  	[sflag:s4] =	ssyncset.done $0x0  }
0x53: {  	[sflag:s4] =	ssyncadd.s32 $0xFFFFD000  }
0x54: {  	[tilespmem:s14], [sflag:$0x1] =	stream.indirect.gather [hbm4b:s3+s15], $0x80, s17, s15, $0xb8;
	[tilespmem:$0x15800] =	vst v63  }
0x55: {  	_ =	swait.ge [sflag:s4], $0x3000  }
0x56: {  	[sflag:s4] =	ssyncset.done $0x0  }
0x57: {  	[sflag:s4] =	ssyncadd.s32 $0xFFFFD000  }
0x58: {  	[tilespmem:s13], [sflag:$0x1] =	stream.indirect.gather [hbm4b:s3+s15], $0x80, s23, s15, $0xb8;
	[tilespmem:$0x15800] =	vst v63  }
0x59: {  	_ =	swait.ge [sflag:s4], $0x3000  }
0x5a: {  	[sflag:s4] =	ssyncset.done $0x0  }
0x5b: {  	[sflag:s4] =	ssyncadd.s32 $0xFFFFD000  }
0x5c: {  	[tilespmem:s12], [sflag:$0x1] =	stream.indirect.gather [hbm4b:s3+s15], $0x80, s22, s15, $0xb8;
	[tilespmem:$0x15800] =	vst v63  }
0x5d: {  	_ =	swait.ge [sflag:s4], $0x3000  }
0x5e: {  	[sflag:s4] =	ssyncset.done $0x0  }
0x5f: {  	[sflag:s4] =	ssyncadd.s32 $0xFFFFD000  }
0x60: {  	[tilespmem:s11], [sflag:$0x1] =	stream.indirect.gather [hbm4b:s3+s15], $0x80, s21, s15, $0xb8;
	[tilespmem:$0x15800] =	vst v63  }
0x61: {  	_ =	swait.ge [sflag:s4], $0x3000  }
0x62: {  	[sflag:s4] =	ssyncset.done $0x0  }
0x63: {  	[sflag:s4] =	ssyncadd.s32 $0xFFFFD000  }
0x64: {  	[tilespmem:s10], [sflag:$0x1] =	stream.indirect.gather [hbm4b:s3+s15], $0x80, s20, s15, $0xb8;
	[tilespmem:$0x15800] =	vst v63  }
0x65: {  	_ =	swait.ge [sflag:s4], $0x3000  }
0x66: {  	[sflag:s4] =	ssyncset.done $0x0  }
0x67: {  	[sflag:s4] =	ssyncadd.s32 $0xFFFFD000  }
0x68: {  	[tilespmem:s8], [sflag:$0x1] =	stream.indirect.gather [hbm4b:s3+s15], $0x80, s19, s15, $0xb8;
	[tilespmem:$0x15800] =	vst v63  }
0x69: {  	_ =	swait.ge [sflag:s4], $0x3000  }
0x6a: {  	[sflag:s4] =	ssyncset.done $0x0  }
0x6b: {  	[sflag:s4] =	ssyncadd.s32 $0xFFFFD000  }
0x6c: {  	[tilespmem:s7], [sflag:$0x1] =	stream.indirect.gather [hbm4b:s3+s15], $0x80, s18, s15, $0xb8;
	[tilespmem:$0x15800] =	vst v63  }
0x6d: {  	_ =	swait.ge [sflag:s9], $0x3000  }
0x6e: {  	[sflag:s9] =	ssyncset.done $0x0  }
0x6f: {  	s0 =	rddreg [dreg:$0xe];
	[sflag:s9] =	ssyncadd.s32 $0xFFFFD000  }
0x70: {  	[hbm4b:s0+s2] =	stream.linear.scatter [tilespmem:s14], [sflag:$0x2], $0x3000, $0x38;
	[tilespmem:$0x15800] =	vst v63  }
0x71: {  	_ =	swait.ge [sflag:s9], $0x3000  }
0x72: {  	[sflag:s9] =	ssyncset.done $0x0  }
0x73: {  	s0 =	rddreg [dreg:$0xf];
	[sflag:s9] =	ssyncadd.s32 $0xFFFFD000  }
0x74: {  	[hbm4b:s0+s2] =	stream.linear.scatter [tilespmem:s13], [sflag:$0x2], $0x3000, $0x38;
	[tilespmem:$0x15800] =	vst v63  }
0x75: {  	_ =	swait.ge [sflag:s9], $0x3000  }
0x76: {  	[sflag:s9] =	ssyncset.done $0x0  }
0x77: {  	s0 =	rddreg [dreg:$0x10];
	[sflag:s9] =	ssyncadd.s32 $0xFFFFD000  }
0x78: {  	[hbm4b:s0+s2] =	stream.linear.scatter [tilespmem:s12], [sflag:$0x2], $0x3000, $0x38;
	[tilespmem:$0x15800] =	vst v63  }
0x79: {  	_ =	swait.ge [sflag:s9], $0x3000  }
0x7a: {  	[sflag:s9] =	ssyncset.done $0x0  }
0x7b: {  	s0 =	rddreg [dreg:$0x11];
	[sflag:s9] =	ssyncadd.s32 $0xFFFFD000  }
0x7c: {  	[hbm4b:s0+s2] =	stream.linear.scatter [tilespmem:s11], [sflag:$0x2], $0x3000, $0x38;
	[tilespmem:$0x15800] =	vst v63  }
0x7d: {  	_ =	swait.ge [sflag:s9], $0x3000  }
0x7e: {  	[sflag:s9] =	ssyncset.done $0x0  }
0x7f: {  	s0 =	rddreg [dreg:$0x12];
	[sflag:s9] =	ssyncadd.s32 $0xFFFFD000  }
0x80: {  	[hbm4b:s0+s2] =	stream.linear.scatter [tilespmem:s10], [sflag:$0x2], $0x3000, $0x38;
	[tilespmem:$0x15800] =	vst v63  }
0x81: {  	_ =	swait.ge [sflag:s9], $0x3000  }
0x82: {  	[sflag:s9] =	ssyncset.done $0x0  }
0x83: {  	[sflag:s9] =	ssyncadd.s32 $0xFFFFD000  }
0x84: {  	[hbm4b:s6+s2] =	stream.linear.scatter [tilespmem:s8], [sflag:$0x2], $0x3000, $0x38;
	[tilespmem:$0x15800] =	vst v63  }
0x85: {  	_ =	swait.ge [sflag:s9], $0x3000  }
0x86: {  	[sflag:s9] =	ssyncset.done $0x0  }
0x87: {  	[sflag:s9] =	ssyncadd.s32 $0xFFFFD000  }
0x88: {  	[hbm4b:s5+s2] =	stream.linear.scatter [tilespmem:s7], [sflag:$0x2], $0x3000, $0x38;
	[tilespmem:$0x15800] =	vst v63  }
0x89: {  	_ =	swait.ge [sflag:s4], $0x3000  }
0x8a: {  	[sflag:s4] =	ssyncset.done $0x0  }
0x8b: {  	[sflag:s4] =	ssyncadd.s32 $0xFFFFD000  }
0x8c: {  	_ =	swait.ge [sflag:s4], $0x3000  }
0x8d: {  	[sflag:s4] =	ssyncset.done $0x0  }
0x8e: {  	[sflag:s4] =	ssyncadd.s32 $0xFFFFD000  }
0x8f: {  	_ =	swait.ge [sflag:s4], $0x3000  }
0x90: {  	[sflag:s4] =	ssyncset.done $0x0  }
0x91: {  	[sflag:s4] =	ssyncadd.s32 $0xFFFFD000  }
0x92: {  	_ =	swait.ge [sflag:s4], $0x3000  }
0x93: {  	[sflag:s4] =	ssyncset.done $0x0  }
0x94: {  	[sflag:s4] =	ssyncadd.s32 $0xFFFFD000  }
0x95: {  	_ =	swait.ge [sflag:s4], $0x3000  }
0x96: {  	[sflag:s4] =	ssyncset.done $0x0  }
0x97: {  	p1 =	sne.s32 s1, $0x1;
	[sflag:s4] =	ssyncadd.s32 $0xFFFFD000  }
.Ltmp1:
0x98: {  	_ =	swait.ge [sflag:s4], $0x3000;
	(pc) =	sbr.rel @!p1 .LBB2_3-.Ltmp1, $4  }
0x99: {  	[sflag:s4] =	ssyncset.done $0x0  }
0x9a: {  	[sflag:s4] =	ssyncadd.s32 $0xFFFFD000  }
0x9b: {  	s1 =	sadd.s32 $0xFFFFFFFF, s1;
	_ =	swait.ge [sflag:s4], $0x3000  }
0x9c: {  	p0 =	por $0x1, $0x1;
	s0 =	rddreg [dreg:$0x5];
	[sflag:s4] =	ssyncset.done $0x0  }
.LBB2_2:
0x9d: {  	[sflag:s4] =	ssyncadd.s32 $0xFFFFD000  }
0x9e: {  	[tilespmem:s2], [sflag:$0x3] =	stream.linear.gather [hbm4b:s0+s2], $0x380, $0x38;
	[tilespmem:$0x15800] =	vst v63  }
0x9f: {  	_ =	swait.ge [sflag:s24], $0x380  }
0xa0: {  	[sflag:s24] =	ssyncset.done $0x0  }
0xa1: {  	s0 =	rddreg [dreg:$0x6];
	[sflag:s24] =	ssyncadd.s32 $0xFFFFFC80  }
0xa2: {  	[tilespmem:s17], [sflag:$0x3] =	stream.linear.gather [hbm4b:s0+s2], $0x380, $0x38;
	[tilespmem:$0x15800] =	vst v63  }
0xa3: {  	_ =	swait.ge [sflag:s24], $0x380  }
0xa4: {  	[sflag:s24] =	ssyncset.done $0x0  }
0xa5: {  	[sflag:s24] =	ssyncadd.s32 $0xFFFFFC80  }
0xa6: {  	[tilespmem:s14], [sflag:$0x1] =	stream.indirect.gather [hbm4b:s16+s15], $0x80, s2, s15, $0xb8;
	[tilespmem:$0x15800] =	vst v63  }
0xa7: {  	_ = 	snop  }
0xa8: {  	[tilespmem:s13], [sflag:$0x1] =	stream.indirect.gather [hbm4b:s16+s15], $0x80, s25, s15, $0xb8;
	[tilespmem:$0x15800] =	vst v63  }
0xa9: {  	_ = 	snop  }
0xaa: {  	[tilespmem:s12], [sflag:$0x1] =	stream.indirect.gather [hbm4b:s16+s15], $0x80, s26, s15, $0xb8;
	[tilespmem:$0x15800] =	vst v63  }
0xab: {  	_ = 	snop  }
0xac: {  	[tilespmem:s11], [sflag:$0x1] =	stream.indirect.gather [hbm4b:s16+s15], $0x80, s28, s15, $0xb8;
	[tilespmem:$0x15800] =	vst v63  }
0xad: {  	_ = 	snop  }
0xae: {  	[tilespmem:s10], [sflag:$0x1] =	stream.indirect.gather [hbm4b:s16+s15], $0x80, s29, s15, $0xb8;
	[tilespmem:$0x15800] =	vst v63  }
0xaf: {  	_ = 	snop  }
0xb0: {  	[tilespmem:s8], [sflag:$0x1] =	stream.indirect.gather [hbm4b:s16+s15], $0x80, s30, s15, $0xb8;
	[tilespmem:$0x15800] =	vst v63  }
0xb1: {  	_ = 	snop  }
0xb2: {  	[tilespmem:s7], [sflag:$0x1] =	stream.indirect.gather [hbm4b:s16+s15], $0x80, s31, s15, $0xb8;
	[tilespmem:$0x15800] =	vst v63  }
0xb3: {  	_ =	swait.ge [sflag:s9], $0x3000  }
0xb4: {  	[sflag:s9] =	ssyncset.done $0x0  }
0xb5: {  	s0 =	rddreg [dreg:$0x7];
	[sflag:s9] =	ssyncadd.s32 $0xFFFFD000  }
0xb6: {  	[hbm4b:s0+s2] =	stream.linear.scatter [tilespmem:s14], [sflag:$0x2], $0x3000, $0x38;
	[tilespmem:$0x15800] =	vst v63  }
0xb7: {  	_ =	swait.ge [sflag:s9], $0x3000  }
0xb8: {  	[sflag:s9] =	ssyncset.done $0x0  }
0xb9: {  	s0 =	rddreg [dreg:$0x8];
	[sflag:s9] =	ssyncadd.s32 $0xFFFFD000  }
0xba: {  	[hbm4b:s0+s2] =	stream.linear.scatter [tilespmem:s13], [sflag:$0x2], $0x3000, $0x38;
	[tilespmem:$0x15800] =	vst v63  }
0xbb: {  	_ =	swait.ge [sflag:s9], $0x3000  }
0xbc: {  	[sflag:s9] =	ssyncset.done $0x0  }
0xbd: {  	s0 =	rddreg [dreg:$0x9];
	[sflag:s9] =	ssyncadd.s32 $0xFFFFD000  }
0xbe: {  	[hbm4b:s0+s2] =	stream.linear.scatter [tilespmem:s12], [sflag:$0x2], $0x3000, $0x38;
	[tilespmem:$0x15800] =	vst v63  }
0xbf: {  	_ =	swait.ge [sflag:s9], $0x3000  }
0xc0: {  	[sflag:s9] =	ssyncset.done $0x0  }
0xc1: {  	s0 =	rddreg [dreg:$0xa];
	[sflag:s9] =	ssyncadd.s32 $0xFFFFD000  }
0xc2: {  	[hbm4b:s0+s2] =	stream.linear.scatter [tilespmem:s11], [sflag:$0x2], $0x3000, $0x38;
	[tilespmem:$0x15800] =	vst v63  }
0xc3: {  	_ =	swait.ge [sflag:s9], $0x3000  }
0xc4: {  	[sflag:s9] =	ssyncset.done $0x0  }
0xc5: {  	s0 =	rddreg [dreg:$0xb];
	[sflag:s9] =	ssyncadd.s32 $0xFFFFD000  }
0xc6: {  	[hbm4b:s0+s2] =	stream.linear.scatter [tilespmem:s10], [sflag:$0x2], $0x3000, $0x38;
	[tilespmem:$0x15800] =	vst v63  }
0xc7: {  	_ =	swait.ge [sflag:s9], $0x3000  }
0xc8: {  	[sflag:s9] =	ssyncset.done $0x0  }
0xc9: {  	s0 =	rddreg [dreg:$0xc];
	[sflag:s9] =	ssyncadd.s32 $0xFFFFD000  }
0xca: {  	[hbm4b:s0+s2] =	stream.linear.scatter [tilespmem:s8], [sflag:$0x2], $0x3000, $0x38;
	[tilespmem:$0x15800] =	vst v63  }
0xcb: {  	_ =	swait.ge [sflag:s9], $0x3000  }
0xcc: {  	[sflag:s9] =	ssyncset.done $0x0  }
0xcd: {  	s0 =	rddreg [dreg:$0xd];
	[sflag:s9] =	ssyncadd.s32 $0xFFFFD000  }
0xce: {  	[hbm4b:s0+s2] =	stream.linear.scatter [tilespmem:s7], [sflag:$0x2], $0x3000, $0x38;
	[tilespmem:$0x15800] =	vst v63  }
0xcf: {  	_ =	swait.ge [sflag:s4], $0x3000  }
0xd0: {  	[sflag:s4] =	ssyncset.done $0x0  }
0xd1: {  	[sflag:s4] =	ssyncadd.s32 $0xFFFFD000  }
0xd2: {  	[tilespmem:s14], [sflag:$0x1] =	stream.indirect.gather [hbm4b:s3+s15], $0x80, s17, s15, $0xb8;
	[tilespmem:$0x15800] =	vst v63  }
0xd3: {  	_ =	swait.ge [sflag:s4], $0x3000  }
0xd4: {  	[sflag:s4] =	ssyncset.done $0x0  }
0xd5: {  	[sflag:s4] =	ssyncadd.s32 $0xFFFFD000  }
0xd6: {  	[tilespmem:s13], [sflag:$0x1] =	stream.indirect.gather [hbm4b:s3+s15], $0x80, s23, s15, $0xb8;
	[tilespmem:$0x15800] =	vst v63  }
0xd7: {  	_ =	swait.ge [sflag:s4], $0x3000  }
0xd8: {  	[sflag:s4] =	ssyncset.done $0x0  }
0xd9: {  	[sflag:s4] =	ssyncadd.s32 $0xFFFFD000  }
0xda: {  	[tilespmem:s12], [sflag:$0x1] =	stream.indirect.gather [hbm4b:s3+s15], $0x80, s22, s15, $0xb8;
	[tilespmem:$0x15800] =	vst v63  }
0xdb: {  	_ =	swait.ge [sflag:s4], $0x3000  }
0xdc: {  	[sflag:s4] =	ssyncset.done $0x0  }
0xdd: {  	[sflag:s4] =	ssyncadd.s32 $0xFFFFD000  }
0xde: {  	[tilespmem:s11], [sflag:$0x1] =	stream.indirect.gather [hbm4b:s3+s15], $0x80, s21, s15, $0xb8;
	[tilespmem:$0x15800] =	vst v63  }
0xdf: {  	_ =	swait.ge [sflag:s4], $0x3000  }
0xe0: {  	[sflag:s4] =	ssyncset.done $0x0  }
0xe1: {  	[sflag:s4] =	ssyncadd.s32 $0xFFFFD000  }
0xe2: {  	[tilespmem:s10], [sflag:$0x1] =	stream.indirect.gather [hbm4b:s3+s15], $0x80, s20, s15, $0xb8;
	[tilespmem:$0x15800] =	vst v63  }
0xe3: {  	_ =	swait.ge [sflag:s4], $0x3000  }
0xe4: {  	[sflag:s4] =	ssyncset.done $0x0  }
0xe5: {  	[sflag:s4] =	ssyncadd.s32 $0xFFFFD000  }
0xe6: {  	[tilespmem:s8], [sflag:$0x1] =	stream.indirect.gather [hbm4b:s3+s15], $0x80, s19, s15, $0xb8;
	[tilespmem:$0x15800] =	vst v63  }
0xe7: {  	_ =	swait.ge [sflag:s4], $0x3000  }
0xe8: {  	[sflag:s4] =	ssyncset.done $0x0  }
0xe9: {  	[sflag:s4] =	ssyncadd.s32 $0xFFFFD000  }
0xea: {  	[tilespmem:s7], [sflag:$0x1] =	stream.indirect.gather [hbm4b:s3+s15], $0x80, s18, s15, $0xb8;
	[tilespmem:$0x15800] =	vst v63  }
0xeb: {  	_ =	swait.ge [sflag:s9], $0x3000  }
0xec: {  	[sflag:s9] =	ssyncset.done $0x0  }
0xed: {  	s0 =	rddreg [dreg:$0xe];
	[sflag:s9] =	ssyncadd.s32 $0xFFFFD000  }
0xee: {  	[hbm4b:s0+s2] =	stream.linear.scatter [tilespmem:s14], [sflag:$0x2], $0x3000, $0x38;
	[tilespmem:$0x15800] =	vst v63  }
0xef: {  	_ =	swait.ge [sflag:s9], $0x3000  }
0xf0: {  	[sflag:s9] =	ssyncset.done $0x0  }
0xf1: {  	s0 =	rddreg [dreg:$0xf];
	[sflag:s9] =	ssyncadd.s32 $0xFFFFD000  }
0xf2: {  	[hbm4b:s0+s2] =	stream.linear.scatter [tilespmem:s13], [sflag:$0x2], $0x3000, $0x38;
	[tilespmem:$0x15800] =	vst v63  }
0xf3: {  	_ =	swait.ge [sflag:s9], $0x3000  }
0xf4: {  	[sflag:s9] =	ssyncset.done $0x0  }
0xf5: {  	s0 =	rddreg [dreg:$0x10];
	[sflag:s9] =	ssyncadd.s32 $0xFFFFD000  }
0xf6: {  	[hbm4b:s0+s2] =	stream.linear.scatter [tilespmem:s12], [sflag:$0x2], $0x3000, $0x38;
	[tilespmem:$0x15800] =	vst v63  }
0xf7: {  	_ =	swait.ge [sflag:s9], $0x3000  }
0xf8: {  	[sflag:s9] =	ssyncset.done $0x0  }
0xf9: {  	s0 =	rddreg [dreg:$0x11];
	[sflag:s9] =	ssyncadd.s32 $0xFFFFD000  }
0xfa: {  	[hbm4b:s0+s2] =	stream.linear.scatter [tilespmem:s11], [sflag:$0x2], $0x3000, $0x38;
	[tilespmem:$0x15800] =	vst v63  }
0xfb: {  	_ =	swait.ge [sflag:s9], $0x3000  }
0xfc: {  	[sflag:s9] =	ssyncset.done $0x0  }
0xfd: {  	s0 =	rddreg [dreg:$0x12];
	[sflag:s9] =	ssyncadd.s32 $0xFFFFD000  }
0xfe: {  	[hbm4b:s0+s2] =	stream.linear.scatter [tilespmem:s10], [sflag:$0x2], $0x3000, $0x38;
	[tilespmem:$0x15800] =	vst v63  }
0xff: {  	_ =	swait.ge [sflag:s9], $0x3000  }
0x100: {  	[sflag:s9] =	ssyncset.done $0x0  }
0x101: {  	[sflag:s9] =	ssyncadd.s32 $0xFFFFD000  }
0x102: {  	[hbm4b:s6+s2] =	stream.linear.scatter [tilespmem:s8], [sflag:$0x2], $0x3000, $0x38;
	[tilespmem:$0x15800] =	vst v63  }
0x103: {  	_ =	swait.ge [sflag:s9], $0x3000  }
0x104: {  	[sflag:s9] =	ssyncset.done $0x0  }
0x105: {  	[sflag:s9] =	ssyncadd.s32 $0xFFFFD000  }
0x106: {  	[hbm4b:s5+s2] =	stream.linear.scatter [tilespmem:s7], [sflag:$0x2], $0x3000, $0x38;
	[tilespmem:$0x15800] =	vst v63  }
0x107: {  	_ =	swait.ge [sflag:s4], $0x3000  }
0x108: {  	[sflag:s4] =	ssyncset.done $0x0  }
0x109: {  	[sflag:s4] =	ssyncadd.s32 $0xFFFFD000  }
0x10a: {  	_ =	swait.ge [sflag:s4], $0x3000  }
0x10b: {  	[sflag:s4] =	ssyncset.done $0x0  }
0x10c: {  	[sflag:s4] =	ssyncadd.s32 $0xFFFFD000  }
0x10d: {  	_ =	swait.ge [sflag:s4], $0x3000  }
0x10e: {  	[sflag:s4] =	ssyncset.done $0x0  }
0x10f: {  	[sflag:s4] =	ssyncadd.s32 $0xFFFFD000  }
0x110: {  	_ =	swait.ge [sflag:s4], $0x3000  }
0x111: {  	[sflag:s4] =	ssyncset.done $0x0  }
0x112: {  	[sflag:s4] =	ssyncadd.s32 $0xFFFFD000  }
0x113: {  	_ =	swait.ge [sflag:s4], $0x3000  }
0x114: {  	[sflag:s4] =	ssyncset.done $0x0  }
0x115: {  	p1 =	sne.s32 s1, $0x1;
	[sflag:s4] =	ssyncadd.s32 $0xFFFFD000  }
.Ltmp2:
0x116: {  	_ =	swait.ge [sflag:s4], $0x3000;
	(pc) =	sbr.rel @p1 .LBB2_2-.Ltmp2, $4  }
0x117: {  	[sflag:s4] =	ssyncset.done $0x0  }
0x118: {  	[sflag:s4] =	ssyncadd.s32 $0xFFFFD000  }
0x119: {  	_ =	swait.ge [sflag:s4], $0x3000  }
0x11a: {  	s1 =	sadd.s32 $0xFFFFFFFF, s1;
	s0 =	rddreg [dreg:$0x5];
	[sflag:s4] =	ssyncset.done $0x0  }
.LBB2_3:
0x11b: {  	[sflag:s4] =	ssyncadd.s32 @p0 $0xFFFFD000  }
0x11c: {  	[tilespmem:s2], [sflag:$0x3] =	stream.linear.gather [hbm4b:s0+s2], $0x380, $0x38;
	[tilespmem:$0x15800] =	vst v63  }
0x11d: {  	_ =	swait.ge [sflag:s24], $0x380  }
0x11e: {  	[sflag:s24] =	ssyncset.done $0x0  }
0x11f: {  	s1 =	rddreg [dreg:$0x6];
	[sflag:s24] =	ssyncadd.s32 $0xFFFFFC80  }
0x120: {  	[tilespmem:s17], [sflag:$0x3] =	stream.linear.gather [hbm4b:s1+s2], $0x380, $0x38;
	[tilespmem:$0x15800] =	vst v63  }
0x121: {  	_ =	swait.ge [sflag:s24], $0x380  }
0x122: {  	[sflag:s24] =	ssyncset.done $0x0  }
0x123: {  	[sflag:s24] =	ssyncadd.s32 $0xFFFFFC80  }
0x124: {  	[tilespmem:s14], [sflag:$0x1] =	stream.indirect.gather [hbm4b:s16+s15], $0x80, s2, s15, $0xb8;
	[tilespmem:$0x15800] =	vst v63  }
0x125: {  	_ = 	snop  }
0x126: {  	[tilespmem:s13], [sflag:$0x1] =	stream.indirect.gather [hbm4b:s16+s15], $0x80, s25, s15, $0xb8;
	[tilespmem:$0x15800] =	vst v63  }
0x127: {  	_ = 	snop  }
0x128: {  	[tilespmem:s12], [sflag:$0x1] =	stream.indirect.gather [hbm4b:s16+s15], $0x80, s26, s15, $0xb8;
	[tilespmem:$0x15800] =	vst v63  }
0x129: {  	_ = 	snop  }
0x12a: {  	[tilespmem:s11], [sflag:$0x1] =	stream.indirect.gather [hbm4b:s16+s15], $0x80, s28, s15, $0xb8;
	[tilespmem:$0x15800] =	vst v63  }
0x12b: {  	_ = 	snop  }
0x12c: {  	[tilespmem:s10], [sflag:$0x1] =	stream.indirect.gather [hbm4b:s16+s15], $0x80, s29, s15, $0xb8;
	[tilespmem:$0x15800] =	vst v63  }
0x12d: {  	_ = 	snop  }
0x12e: {  	[tilespmem:s8], [sflag:$0x1] =	stream.indirect.gather [hbm4b:s16+s15], $0x80, s30, s15, $0xb8;
	[tilespmem:$0x15800] =	vst v63  }
0x12f: {  	_ = 	snop  }
0x130: {  	[tilespmem:s7], [sflag:$0x1] =	stream.indirect.gather [hbm4b:s16+s15], $0x80, s31, s15, $0xb8;
	[tilespmem:$0x15800] =	vst v63  }
0x131: {  	_ =	swait.ge [sflag:s9], $0x3000  }
0x132: {  	[sflag:s9] =	ssyncset.done $0x0  }
0x133: {  	s28 =	rddreg [dreg:$0x7];
	[sflag:s9] =	ssyncadd.s32 $0xFFFFD000  }
0x134: {  	[hbm4b:s28+s2] =	stream.linear.scatter [tilespmem:s14], [sflag:$0x2], $0x3000, $0x38;
	[tilespmem:$0x15800] =	vst v63  }
0x135: {  	_ =	swait.ge [sflag:s9], $0x3000  }
0x136: {  	[sflag:s9] =	ssyncset.done $0x0  }
0x137: {  	s29 =	rddreg [dreg:$0x8];
	[sflag:s9] =	ssyncadd.s32 $0xFFFFD000  }
0x138: {  	[hbm4b:s29+s2] =	stream.linear.scatter [tilespmem:s13], [sflag:$0x2], $0x3000, $0x38;
	[tilespmem:$0x15800] =	vst v63  }
0x139: {  	_ =	swait.ge [sflag:s9], $0x3000  }
0x13a: {  	[sflag:s9] =	ssyncset.done $0x0  }
0x13b: {  	s30 =	rddreg [dreg:$0x9];
	[sflag:s9] =	ssyncadd.s32 $0xFFFFD000  }
0x13c: {  	[hbm4b:s30+s2] =	stream.linear.scatter [tilespmem:s12], [sflag:$0x2], $0x3000, $0x38;
	[tilespmem:$0x15800] =	vst v63  }
0x13d: {  	_ =	swait.ge [sflag:s9], $0x3000  }
0x13e: {  	[sflag:s9] =	ssyncset.done $0x0  }
0x13f: {  	s31 =	rddreg [dreg:$0xa];
	[sflag:s9] =	ssyncadd.s32 $0xFFFFD000  }
0x140: {  	[hbm4b:s31+s2] =	stream.linear.scatter [tilespmem:s11], [sflag:$0x2], $0x3000, $0x38;
	[tilespmem:$0x15800] =	vst v63  }
0x141: {  	_ =	swait.ge [sflag:s9], $0x3000  }
0x142: {  	[sflag:s9] =	ssyncset.done $0x0  }
0x143: {  	s1 =	rddreg [dreg:$0xb];
	[sflag:s9] =	ssyncadd.s32 $0xFFFFD000  }
0x144: {  	[hbm4b:s1+s2] =	stream.linear.scatter [tilespmem:s10], [sflag:$0x2], $0x3000, $0x38;
	[tilespmem:$0x15800] =	vst v63  }
0x145: {  	_ =	swait.ge [sflag:s9], $0x3000  }
0x146: {  	[sflag:s9] =	ssyncset.done $0x0  }
0x147: {  	s16 =	rddreg [dreg:$0xc];
	[sflag:s9] =	ssyncadd.s32 $0xFFFFD000  }
0x148: {  	[hbm4b:s16+s2] =	stream.linear.scatter [tilespmem:s8], [sflag:$0x2], $0x3000, $0x38;
	[tilespmem:$0x15800] =	vst v63  }
0x149: {  	_ =	swait.ge [sflag:s9], $0x3000  }
0x14a: {  	[sflag:s9] =	ssyncset.done $0x0  }
0x14b: {  	s24 =	rddreg [dreg:$0xd];
	[sflag:s9] =	ssyncadd.s32 $0xFFFFD000  }
0x14c: {  	[hbm4b:s24+s2] =	stream.linear.scatter [tilespmem:s7], [sflag:$0x2], $0x3000, $0x38;
	[tilespmem:$0x15800] =	vst v63  }
0x14d: {  	_ =	swait.ge [sflag:s4], $0x3000  }
0x14e: {  	[sflag:s4] =	ssyncset.done $0x0  }
0x14f: {  	[sflag:s4] =	ssyncadd.s32 $0xFFFFD000  }
0x150: {  	[tilespmem:s14], [sflag:$0x1] =	stream.indirect.gather [hbm4b:s3+s15], $0x80, s17, s15, $0xb8;
	[tilespmem:$0x15800] =	vst v63  }
0x151: {  	_ =	swait.ge [sflag:s4], $0x3000  }
0x152: {  	[sflag:s4] =	ssyncset.done $0x0  }
0x153: {  	[sflag:s4] =	ssyncadd.s32 $0xFFFFD000  }
0x154: {  	[tilespmem:s13], [sflag:$0x1] =	stream.indirect.gather [hbm4b:s3+s15], $0x80, s23, s15, $0xb8;
	[tilespmem:$0x15800] =	vst v63  }
0x155: {  	_ =	swait.ge [sflag:s4], $0x3000  }
0x156: {  	[sflag:s4] =	ssyncset.done $0x0  }
0x157: {  	[sflag:s4] =	ssyncadd.s32 $0xFFFFD000  }
0x158: {  	[tilespmem:s12], [sflag:$0x1] =	stream.indirect.gather [hbm4b:s3+s15], $0x80, s22, s15, $0xb8;
	[tilespmem:$0x15800] =	vst v63  }
0x159: {  	_ =	swait.ge [sflag:s4], $0x3000  }
0x15a: {  	[sflag:s4] =	ssyncset.done $0x0  }
0x15b: {  	[sflag:s4] =	ssyncadd.s32 $0xFFFFD000  }
0x15c: {  	[tilespmem:s11], [sflag:$0x1] =	stream.indirect.gather [hbm4b:s3+s15], $0x80, s21, s15, $0xb8;
	[tilespmem:$0x15800] =	vst v63  }
0x15d: {  	_ =	swait.ge [sflag:s4], $0x3000  }
0x15e: {  	[sflag:s4] =	ssyncset.done $0x0  }
0x15f: {  	[sflag:s4] =	ssyncadd.s32 $0xFFFFD000  }
0x160: {  	[tilespmem:s10], [sflag:$0x1] =	stream.indirect.gather [hbm4b:s3+s15], $0x80, s20, s15, $0xb8;
	[tilespmem:$0x15800] =	vst v63  }
0x161: {  	_ =	swait.ge [sflag:s4], $0x3000  }
0x162: {  	[sflag:s4] =	ssyncset.done $0x0  }
0x163: {  	[sflag:s4] =	ssyncadd.s32 $0xFFFFD000  }
0x164: {  	[tilespmem:s8], [sflag:$0x1] =	stream.indirect.gather [hbm4b:s3+s15], $0x80, s19, s15, $0xb8;
	[tilespmem:$0x15800] =	vst v63  }
0x165: {  	_ =	swait.ge [sflag:s4], $0x3000  }
0x166: {  	[sflag:s4] =	ssyncset.done $0x0  }
0x167: {  	[sflag:s4] =	ssyncadd.s32 $0xFFFFD000  }
0x168: {  	[tilespmem:s7], [sflag:$0x1] =	stream.indirect.gather [hbm4b:s3+s15], $0x80, s18, s15, $0xb8;
	[tilespmem:$0x15800] =	vst v63  }
0x169: {  	_ =	swait.ge [sflag:s9], $0x3000  }
0x16a: {  	[sflag:s9] =	ssyncset.done $0x0  }
0x16b: {  	s25 =	rddreg [dreg:$0xe];
	[sflag:s9] =	ssyncadd.s32 $0xFFFFD000  }
0x16c: {  	[hbm4b:s25+s2] =	stream.linear.scatter [tilespmem:s14], [sflag:$0x2], $0x3000, $0x38;
	[tilespmem:$0x15800] =	vst v63  }
0x16d: {  	_ =	swait.ge [sflag:s9], $0x3000  }
0x16e: {  	[sflag:s9] =	ssyncset.done $0x0  }
0x16f: {  	s26 =	rddreg [dreg:$0xf];
	[sflag:s9] =	ssyncadd.s32 $0xFFFFD000  }
0x170: {  	[hbm4b:s26+s2] =	stream.linear.scatter [tilespmem:s13], [sflag:$0x2], $0x3000, $0x38;
	[tilespmem:$0x15800] =	vst v63  }
0x171: {  	_ =	swait.ge [sflag:s9], $0x3000  }
0x172: {  	[sflag:s9] =	ssyncset.done $0x0  }
0x173: {  	s28 =	rddreg [dreg:$0x10];
	[sflag:s9] =	ssyncadd.s32 $0xFFFFD000  }
0x174: {  	[hbm4b:s28+s2] =	stream.linear.scatter [tilespmem:s12], [sflag:$0x2], $0x3000, $0x38;
	[tilespmem:$0x15800] =	vst v63  }
0x175: {  	_ =	swait.ge [sflag:s9], $0x3000  }
0x176: {  	[sflag:s9] =	ssyncset.done $0x0  }
0x177: {  	s29 =	rddreg [dreg:$0x11];
	[sflag:s9] =	ssyncadd.s32 $0xFFFFD000  }
0x178: {  	[hbm4b:s29+s2] =	stream.linear.scatter [tilespmem:s11], [sflag:$0x2], $0x3000, $0x38;
	[tilespmem:$0x15800] =	vst v63  }
0x179: {  	_ =	swait.ge [sflag:s9], $0x3000  }
0x17a: {  	[sflag:s9] =	ssyncset.done $0x0  }
0x17b: {  	s30 =	rddreg [dreg:$0x12];
	[sflag:s9] =	ssyncadd.s32 $0xFFFFD000  }
0x17c: {  	[hbm4b:s30+s2] =	stream.linear.scatter [tilespmem:s10], [sflag:$0x2], $0x3000, $0x38;
	[tilespmem:$0x15800] =	vst v63  }
0x17d: {  	_ =	swait.ge [sflag:s9], $0x3000  }
0x17e: {  	[sflag:s9] =	ssyncset.done $0x0  }
0x17f: {  	[sflag:s9] =	ssyncadd.s32 $0xFFFFD000  }
0x180: {  	[hbm4b:s6+s2] =	stream.linear.scatter [tilespmem:s8], [sflag:$0x2], $0x3000, $0x38;
	[tilespmem:$0x15800] =	vst v63  }
0x181: {  	_ =	swait.ge [sflag:s9], $0x3000  }
0x182: {  	[sflag:s9] =	ssyncset.done $0x0  }
0x183: {  	[sflag:s9] =	ssyncadd.s32 $0xFFFFD000  }
0x184: {  	[hbm4b:s5+s2] =	stream.linear.scatter [tilespmem:s7], [sflag:$0x2], $0x3000, $0x38;
	[tilespmem:$0x15800] =	vst v63  }
0x185: {  	_ =	swait.ge [sflag:s4], $0x3000  }
0x186: {  	[sflag:s4] =	ssyncset.done $0x0  }
0x187: {  	[sflag:s4] =	ssyncadd.s32 $0xFFFFD000  }
0x188: {  	_ =	swait.ge [sflag:s4], $0x3000  }
0x189: {  	[sflag:s4] =	ssyncset.done $0x0  }
0x18a: {  	[sflag:s4] =	ssyncadd.s32 $0xFFFFD000  }
0x18b: {  	_ =	swait.ge [sflag:s4], $0x3000  }
0x18c: {  	[sflag:s4] =	ssyncset.done $0x0  }
0x18d: {  	[sflag:s4] =	ssyncadd.s32 $0xFFFFD000  }
0x18e: {  	_ =	swait.ge [sflag:s4], $0x3000  }
0x18f: {  	[sflag:s4] =	ssyncset.done $0x0  }
0x190: {  	[sflag:s4] =	ssyncadd.s32 $0xFFFFD000  }
0x191: {  	_ =	swait.ge [sflag:s4], $0x3000  }
0x192: {  	[sflag:s4] =	ssyncset.done $0x0  }
0x193: {  	[sflag:s4] =	ssyncadd.s32 $0xFFFFD000  }
0x194: {  	_ =	swait.ge [sflag:s4], $0x3000  }
0x195: {  	[sflag:s4] =	ssyncset.done $0x0  }
0x196: {  	[sflag:s4] =	ssyncadd.s32 $0xFFFFD000  }
0x197: {  	_ =	swait.ge [sflag:s4], $0x3000  }
0x198: {  	[sflag:s4] =	ssyncset.done $0x0  }
0x199: {  	[sflag:s4] =	ssyncadd.s32 $0xFFFFD000  }
0x19a: {  	_ =	sfence.sel $0x180000  }
0x19b: {  	[bflag:$0x0] =	sbarrier.arrive $0xFFFF  }
0x19c: {  	_ =	strace $0x90000047  }
0x19d: {  	s31 =	stileid.u32;
	[bflag:$0x2] =	sbarrier.arrive $0xFFFF  }
0x19e: {  	p0 =	sne.s32 s31, $0x0;
	s0 =	rddreg [dreg:$0x4]  }
0x19f: {  	s0 =	sadd.s32 @!p0 $0x100000, s0  }
0x1a0: {  	[sflag:s0] =	ssyncadd.tile.s32 @!p0 $0x1;
	_ =	shalt  }
.Lfunc_end2:
_tile_overlayer_lowered:
.L_overlay_start_2:
0x1a1: {  	(tag) =	ssettag $0x2  }
0x1a2: {  	s0 =	rddreg [dreg:$0x0];
	s2 =	stileid.u32  }
0x1a3: {  	s1 =	rddreg [dreg:$0x1];
	p0 =	sne.s32 s2, $0x0  }
0x1a4: {  	s3 =	rddreg [dreg:$0x2];
	[bflag:$0x3] =	sbarrier.arrive $0xFFFF;
	s2 =	simm.s32 @!p0 $0x1C03  }
0x1a5: {  	[timem:s3], [sflag:s2] =	dma.local @!p0 [hbm:s0], s1  }
0x1a6: {  	s0 =	simm.s32 @!p0 $0x3  }
0x1a7: {  	_ =	swait.ge @!p0 [sflag:s0], s1  }
0x1a8: {  	s1 =	ssub.s32 @!p0 $0x0, s1;
	[sflag:s0] =	ssyncset.done @!p0 $0x0  }
0x1a9: {  	[sflag:s0] =	ssyncadd.s32 @!p0 s1  }
0x1aa: {  	[bflag:$0x3] =	sbarrier.arrive $0xFFFF  }
0x1ab: {  	_ =	shalt  }

</sc_bundles>
